<compile_context>
chip_gen: v7x
topology: tpu7x:2x2x1
jax: 0.10.2.dev20260603
libtpu: 0.0.44.dev20260713+nightly
codegen_flags: <defaults>
</compile_context>

<pallas_src>
import functools

import jax
import jax.numpy as jnp
from jax import lax
from jax.experimental import pallas as pl
from jax.experimental.pallas import tpu as pltpu
from jax.experimental.pallas import tpu_sc as plsc

_NUM_CORES = 2
_NUM_SUBCORES = 16
_NW = _NUM_CORES * _NUM_SUBCORES
_CH = 8
_NBUF = 4
_A = 2


def _sc_copy_body(n_iter, x_hbm, o_hbm, sbuf_all, in_sems, out_sems):
    c = lax.axis_index("c")
    s = lax.axis_index("s")
    rows_per_w = n_iter * _CH
    base = (s * _NUM_CORES + c) * rows_per_w
    buf = sbuf_all.at[s]

    def in_copy(k, b):
        return pltpu.make_async_copy(
            x_hbm.at[pl.ds(base + k * _CH, _CH)], buf.at[b], in_sems.at[b]
        )

    def out_copy(k, b):
        return pltpu.make_async_copy(
            buf.at[b], o_hbm.at[pl.ds(base + k * _CH, _CH)], out_sems.at[b]
        )

    def body(g):
        for b in range(_NBUF):
            k = g * _NBUF + b

            @pl.when(k >= _NBUF)
            def _():
                out_copy(k - _NBUF, b).wait()

            in_copy(k, b).start()

            bb = (b - _A) % _NBUF

            @pl.when(k >= _A)
            def _():
                in_copy(k - _A, bb).wait()
                out_copy(k - _A, bb).start()

    pl.loop(0, n_iter // _NBUF)(body)
    for k in range(n_iter - _A, n_iter):
        in_copy(k, k % _NBUF).wait()
        out_copy(k, k % _NBUF).start()
    for k in range(n_iter - _NBUF, n_iter):
        out_copy(k, k % _NBUF).wait()


def kernel(inputs, memories):
    del memories
    B, T, d = inputs.shape
    rows = B * T
    n_iter = rows // (_NW * _CH)
    x = inputs.reshape(rows, d)
    mesh = plsc.VectorSubcoreMesh(core_axis_name="c", subcore_axis_name="s")
    run = functools.partial(
        pl.kernel,
        mesh=mesh,
        out_type=jax.ShapeDtypeStruct((rows, d), jnp.float32),
        scratch_types=[
            pltpu.VMEM_SHARED((_NUM_SUBCORES, _NBUF, _CH, d), jnp.float32),
            pltpu.SemaphoreType.DMA((_NBUF,)),
            pltpu.SemaphoreType.DMA((_NBUF,)),
        ],
    )(functools.partial(_sc_copy_body, n_iter))
    return run(x).reshape(B, T, d)

# --- scband reference (transcript-rebuilt; emitter-appended) ---
"""Pipeline reference for scband-memory-67061619360365 (READ-ONLY COPY).

The authoritative reference and input builder live on the scoring server;
editing this copy changes nothing except your own understanding.
"""

import jax, jax.numpy as jnp
import numpy as np

MEMORY_LENGTH = 4096


def setup_inputs(seed: int = 0) -> dict:
    key = jax.random.key(seed)
    k1, k2 = jax.random.split(key)
    inputs = jax.random.normal(k1, (4, 4096, 2048), dtype=jnp.float32)
    memories = jax.random.normal(k2, (4, 4096, 2048), dtype=jnp.float32)
    return {"inputs": inputs, "memories": memories}


def _count_zeros(mask):
    # count of False entries per batch row (matches math_util.count(value=0))
    return jnp.sum((mask.astype(jnp.int32) == 0).astype(jnp.int32), axis=1)


def _shift(tensor, shift):
    # per-row roll along the sequence axis (matches tf.vectorized_map over tf.roll)
    return jax.vmap(lambda x, s: jnp.roll(x, s, axis=0))(tensor, shift)


def reference(inputs, memories):
    B, T, d = inputs.shape
    M = memories.shape[1]
    # default masks: inputs mask = all True (default_mask_value=1),
    # memory mask = all False (default_mask_value=0)
    inputs_mask = jnp.ones((B, T), dtype=bool)
    memory_mask = jnp.zeros((B, M), dtype=bool)

    shift = _count_zeros(memory_mask)
    new_memory = _shift(memories, shift)
    new_memory_mask = _shift(memory_mask, shift)

    new_memory = jnp.concatenate([new_memory, inputs], axis=1)
    new_memory_mask = jnp.concatenate([new_memory_mask, inputs_mask], axis=1)

    shift2 = _count_zeros(inputs_mask)
    new_memory = _shift(new_memory, shift2)
    new_memory_mask = _shift(new_memory_mask, shift2)

    L = new_memory.shape[1]
    new_memory = new_memory[:, L - MEMORY_LENGTH:, :]
    new_memory_mask = new_memory_mask[:, L - MEMORY_LENGTH:]
    return new_memory

if __name__ == "__main__":
    import jax
    _d = setup_inputs()
    print(jax.jit(kernel)(*tuple(_d.values())))

</pallas_src>

<mosaic_0001>
#map = affine_map<(d0, d1) -> (0, 0)>
module attributes {stable_mosaic.version = 14 : i64} {
  func.func @_sc_copy_body(%arg0: i32, %arg1: i32, %arg2: memref<16384x2048xf32, #tpu.memory_space<hbm>>, %arg3: memref<16384x2048xf32, #tpu.memory_space<hbm>>, %arg4: memref<16x4x8x2048xf32, #tpu.memory_space<vmem_shared>>, %arg5: memref<4x!tpu.dma_semaphore, #tpu.memory_space<semaphore_mem>>, %arg6: memref<4x!tpu.dma_semaphore, #tpu.memory_space<semaphore_mem>>) attributes {dimension_semantics = [#tpu.dimension_semantics<core_parallel>, #tpu.dimension_semantics<subcore_parallel>], iteration_bounds = array<i64: 2, 16>, scalar_prefetch = 0 : i64, scratch_operands = 3 : i64, tpu.core_type = #tpu.core_type<sc_vector_subcore>, window_params = [{transform_indices = #map}, {transform_indices = #map}]} {
    %mul3A = arith.constant 2 : i32
    %mul3A_0 = arith.muli %arg1, %mul3A : i32
    %add3A = arith.addi %mul3A_0, %arg0 : i32
    %mul3A_1 = arith.constant 512 : i32
    %mul3A_2 = arith.muli %add3A, %mul3A_1 : i32
    %scan3A = arith.constant 0 : i32
    %scan3A_3 = arith.constant 16 : i32
    %scan3A_4 = arith.addi %scan3A, %scan3A_3 : i32
    %scan3A_5 = arith.constant 1 : i32
    scf.for %scan3A_141 = %scan3A to %scan3A_4 step %scan3A_5  : i32 {
      %mul3A_142 = arith.constant 1 : i32
      %mul3A_143 = arith.muli %scan3A_141, %mul3A_142 : i32
      %add3A_144 = arith.constant 0 : i32
      %add3A_145 = arith.addi %add3A_144, %mul3A_143 : i32
      %mul3A_146 = arith.constant 4 : i32
      %mul3A_147 = arith.muli %add3A_145, %mul3A_146 : i32
      %add3A_148 = arith.constant 0 : i32
      %add3A_149 = arith.addi %mul3A_147, %add3A_148 : i32
      %ge3A = arith.constant 4 : i32
      %ge3A_150 = arith.cmpi sge, %add3A_149, %ge3A : i32
      %convert_element_type3A = arith.extui %ge3A_150 : i1 to i32
      %cond3A = arith.constant 0 : i32
      %cond3A_151 = arith.cmpi ne, %convert_element_type3A, %cond3A : i32
      scf.if %cond3A_151 {
        %sub3A = arith.constant 4 : i32
        %sub3A_271 = arith.subi %add3A_149, %sub3A : i32
        %mul3A_272 = arith.constant 8 : i32
        %mul3A_273 = arith.muli %sub3A_271, %mul3A_272 : i32
        %add3A_274 = arith.addi %mul3A_2, %mul3A_273 : i32
        %dma_wait3A_275 = arith.constant 0 : i32
        %dma_wait3A_276 = arith.constant 0 : i32
        %dma_wait3A_277 = tpu.memref_slice %arg6[%dma_wait3A_276] : memref<4x!tpu.dma_semaphore, #tpu.memory_space<semaphore_mem>> -> memref<1x!tpu.dma_semaphore, #tpu.memory_space<semaphore_mem>>
        %dma_wait3A_278 = tpu.memref_squeeze %dma_wait3A_277 : memref<1x!tpu.dma_semaphore, #tpu.memory_space<semaphore_mem>> -> memref<!tpu.dma_semaphore, #tpu.memory_space<semaphore_mem>>
        %dma_wait3A_279 = arith.constant 0 : i32
        %dma_wait3A_280 = tpu.memref_slice %arg3[%add3A_274, %dma_wait3A_279] : memref<16384x2048xf32, #tpu.memory_space<hbm>> -> memref<8x2048xf32, #tpu.memory_space<hbm>>
        %dma_wait3A_281 = arith.constant 0 : i32
        %dma_wait3A_282 = arith.constant 0 : i32
        %dma_wait3A_283 = arith.constant 0 : i32
        %dma_wait3A_284 = tpu.memref_slice %arg4[%arg1, %dma_wait3A_281, %dma_wait3A_282, %dma_wait3A_283] : memref<16x4x8x2048xf32, #tpu.memory_space<vmem_shared>> -> memref<1x4x8x2048xf32, #tpu.memory_space<vmem_shared>>
        %dma_wait3A_285 = tpu.memref_squeeze %dma_wait3A_284 : memref<1x4x8x2048xf32, #tpu.memory_space<vmem_shared>> -> memref<4x8x2048xf32, #tpu.memory_space<vmem_shared>>
        %dma_wait3A_286 = arith.constant 0 : i32
        %dma_wait3A_287 = arith.constant 0 : i32
        %dma_wait3A_288 = tpu.memref_slice %dma_wait3A_285[%dma_wait3A_275, %dma_wait3A_286, %dma_wait3A_287] : memref<4x8x2048xf32, #tpu.memory_space<vmem_shared>> -> memref<1x8x2048xf32, #tpu.memory_space<vmem_shared>>
        %dma_wait3A_289 = tpu.memref_squeeze %dma_wait3A_288 : memref<1x8x2048xf32, #tpu.memory_space<vmem_shared>> -> memref<8x2048xf32, #tpu.memory_space<vmem_shared>>
        tpu.wait_dma2 semaphore(%dma_wait3A_278 : memref<!tpu.dma_semaphore, #tpu.memory_space<semaphore_mem>>) src(%dma_wait3A_289 : memref<8x2048xf32, #tpu.memory_space<vmem_shared>>) dst(%dma_wait3A_280 : memref<8x2048xf32, #tpu.memory_space<hbm>>)
      } else {
      }
      %mul3A_152 = arith.constant 8 : i32
      %mul3A_153 = arith.muli %add3A_149, %mul3A_152 : i32
      %add3A_154 = arith.addi %mul3A_2, %mul3A_153 : i32
      %dma_start3A_155 = arith.constant 0 : i32
      %dma_start3A_156 = arith.constant 0 : i32
      %dma_start3A_157 = tpu.memref_slice %arg5[%dma_start3A_156] : memref<4x!tpu.dma_semaphore, #tpu.memory_space<semaphore_mem>> -> memref<1x!tpu.dma_semaphore, #tpu.memory_space<semaphore_mem>>
      %dma_start3A_158 = tpu.memref_squeeze %dma_start3A_157 : memref<1x!tpu.dma_semaphore, #tpu.memory_space<semaphore_mem>> -> memref<!tpu.dma_semaphore, #tpu.memory_space<semaphore_mem>>
      %dma_start3A_159 = arith.constant 0 : i32
      %dma_start3A_160 = arith.constant 0 : i32
      %dma_start3A_161 = arith.constant 0 : i32
      %dma_start3A_162 = tpu.memref_slice %arg4[%arg1, %dma_start3A_159, %dma_start3A_160, %dma_start3A_161] : memref<16x4x8x2048xf32, #tpu.memory_space<vmem_shared>> -> memref<1x4x8x2048xf32, #tpu.memory_space<vmem_shared>>
      %dma_start3A_163 = tpu.memref_squeeze %dma_start3A_162 : memref<1x4x8x2048xf32, #tpu.memory_space<vmem_shared>> -> memref<4x8x2048xf32, #tpu.memory_space<vmem_shared>>
      %dma_start3A_164 = arith.constant 0 : i32
      %dma_start3A_165 = arith.constant 0 : i32
      %dma_start3A_166 = tpu.memref_slice %dma_start3A_163[%dma_start3A_155, %dma_start3A_164, %dma_start3A_165] : memref<4x8x2048xf32, #tpu.memory_space<vmem_shared>> -> memref<1x8x2048xf32, #tpu.memory_space<vmem_shared>>
      %dma_start3A_167 = tpu.memref_squeeze %dma_start3A_166 : memref<1x8x2048xf32, #tpu.memory_space<vmem_shared>> -> memref<8x2048xf32, #tpu.memory_space<vmem_shared>>
      %dma_start3A_168 = arith.constant 0 : i32
      %dma_start3A_169 = tpu.memref_slice %arg2[%add3A_154, %dma_start3A_168] : memref<16384x2048xf32, #tpu.memory_space<hbm>> -> memref<8x2048xf32, #tpu.memory_space<hbm>>
      tpu.enqueue_dma source(%dma_start3A_169 : memref<8x2048xf32, #tpu.memory_space<hbm>>) target(%dma_start3A_167 : memref<8x2048xf32, #tpu.memory_space<vmem_shared>>) target_semaphore(%dma_start3A_158 : memref<!tpu.dma_semaphore, #tpu.memory_space<semaphore_mem>>)
      %ge3A_170 = arith.constant 2 : i32
      %ge3A_171 = arith.cmpi sge, %add3A_149, %ge3A_170 : i32
      %convert_element_type3A_172 = arith.extui %ge3A_171 : i1 to i32
      %cond3A_173 = arith.constant 0 : i32
      %cond3A_174 = arith.cmpi ne, %convert_element_type3A_172, %cond3A_173 : i32
      scf.if %cond3A_174 {
        %sub3A = arith.constant 2 : i32
        %sub3A_271 = arith.subi %add3A_149, %sub3A : i32
        %mul3A_272 = arith.constant 8 : i32
        %mul3A_273 = arith.muli %sub3A_271, %mul3A_272 : i32
        %add3A_274 = arith.addi %mul3A_2, %mul3A_273 : i32
        %dma_wait3A_275 = arith.constant 2 : i32
        %dma_wait3A_276 = arith.constant 2 : i32
        %dma_wait3A_277 = tpu.memref_slice %arg5[%dma_wait3A_276] : memref<4x!tpu.dma_semaphore, #tpu.memory_space<semaphore_mem>> -> memref<1x!tpu.dma_semaphore, #tpu.memory_space<semaphore_mem>>
        %dma_wait3A_278 = tpu.memref_squeeze %dma_wait3A_277 : memref<1x!tpu.dma_semaphore, #tpu.memory_space<semaphore_mem>> -> memref<!tpu.dma_semaphore, #tpu.memory_space<semaphore_mem>>
        %dma_wait3A_279 = arith.constant 0 : i32
        %dma_wait3A_280 = arith.constant 0 : i32
        %dma_wait3A_281 = arith.constant 0 : i32
        %dma_wait3A_282 = tpu.memref_slice %arg4[%arg1, %dma_wait3A_279, %dma_wait3A_280, %dma_wait3A_281] : memref<16x4x8x2048xf32, #tpu.memory_space<vmem_shared>> -> memref<1x4x8x2048xf32, #tpu.memory_space<vmem_shared>>
        %dma_wait3A_283 = tpu.memref_squeeze %dma_wait3A_282 : memref<1x4x8x2048xf32, #tpu.memory_space<vmem_shared>> -> memref<4x8x2048xf32, #tpu.memory_space<vmem_shared>>
        %dma_wait3A_284 = arith.constant 0 : i32
        %dma_wait3A_285 = arith.constant 0 : i32
        %dma_wait3A_286 = tpu.memref_slice %dma_wait3A_283[%dma_wait3A_275, %dma_wait3A_284, %dma_wait3A_285] : memref<4x8x2048xf32, #tpu.memory_space<vmem_shared>> -> memref<1x8x2048xf32, #tpu.memory_space<vmem_shared>>
        %dma_wait3A_287 = tpu.memref_squeeze %dma_wait3A_286 : memref<1x8x2048xf32, #tpu.memory_space<vmem_shared>> -> memref<8x2048xf32, #tpu.memory_space<vmem_shared>>
        %dma_wait3A_288 = arith.constant 0 : i32
        %dma_wait3A_289 = tpu.memref_slice %arg2[%add3A_274, %dma_wait3A_288] : memref<16384x2048xf32, #tpu.memory_space<hbm>> -> memref<8x2048xf32, #tpu.memory_space<hbm>>
        tpu.wait_dma2 semaphore(%dma_wait3A_278 : memref<!tpu.dma_semaphore, #tpu.memory_space<semaphore_mem>>) src(%dma_wait3A_289 : memref<8x2048xf32, #tpu.memory_space<hbm>>) dst(%dma_wait3A_287 : memref<8x2048xf32, #tpu.memory_space<vmem_shared>>)
        %sub3A_290 = arith.constant 2 : i32
        %sub3A_291 = arith.subi %add3A_149, %sub3A_290 : i32
        %mul3A_292 = arith.constant 8 : i32
        %mul3A_293 = arith.muli %sub3A_291, %mul3A_292 : i32
        %add3A_294 = arith.addi %mul3A_2, %mul3A_293 : i32
        %dma_start3A_295 = arith.constant 2 : i32
        %dma_start3A_296 = arith.constant 2 : i32
        %dma_start3A_297 = tpu.memref_slice %arg6[%dma_start3A_296] : memref<4x!tpu.dma_semaphore, #tpu.memory_space<semaphore_mem>> -> memref<1x!tpu.dma_semaphore, #tpu.memory_space<semaphore_mem>>
        %dma_start3A_298 = tpu.memref_squeeze %dma_start3A_297 : memref<1x!tpu.dma_semaphore, #tpu.memory_space<semaphore_mem>> -> memref<!tpu.dma_semaphore, #tpu.memory_space<semaphore_mem>>
        %dma_start3A_299 = arith.constant 0 : i32
        %dma_start3A_300 = tpu.memref_slice %arg3[%add3A_294, %dma_start3A_299] : memref<16384x2048xf32, #tpu.memory_space<hbm>> -> memref<8x2048xf32, #tpu.memory_space<hbm>>
        %dma_start3A_301 = arith.constant 0 : i32
        %dma_start3A_302 = arith.constant 0 : i32
        %dma_start3A_303 = arith.constant 0 : i32
        %dma_start3A_304 = tpu.memref_slice %arg4[%arg1, %dma_start3A_301, %dma_start3A_302, %dma_start3A_303] : memref<16x4x8x2048xf32, #tpu.memory_space<vmem_shared>> -> memref<1x4x8x2048xf32, #tpu.memory_space<vmem_shared>>
        %dma_start3A_305 = tpu.memref_squeeze %dma_start3A_304 : memref<1x4x8x2048xf32, #tpu.memory_space<vmem_shared>> -> memref<4x8x2048xf32, #tpu.memory_space<vmem_shared>>
        %dma_start3A_306 = arith.constant 0 : i32
        %dma_start3A_307 = arith.constant 0 : i32
        %dma_start3A_308 = tpu.memref_slice %dma_start3A_305[%dma_start3A_295, %dma_start3A_306, %dma_start3A_307] : memref<4x8x2048xf32, #tpu.memory_space<vmem_shared>> -> memref<1x8x2048xf32, #tpu.memory_space<vmem_shared>>
        %dma_start3A_309 = tpu.memref_squeeze %dma_start3A_308 : memref<1x8x2048xf32, #tpu.memory_space<vmem_shared>> -> memref<8x2048xf32, #tpu.memory_space<vmem_shared>>
        tpu.enqueue_dma source(%dma_start3A_309 : memref<8x2048xf32, #tpu.memory_space<vmem_shared>>) target(%dma_start3A_300 : memref<8x2048xf32, #tpu.memory_space<hbm>>) target_semaphore(%dma_start3A_298 : memref<!tpu.dma_semaphore, #tpu.memory_space<semaphore_mem>>)
      } else {
      }
      %mul3A_175 = arith.constant 4 : i32
      %mul3A_176 = arith.muli %add3A_145, %mul3A_175 : i32
      %add3A_177 = arith.constant 1 : i32
      %add3A_178 = arith.addi %mul3A_176, %add3A_177 : i32
      %ge3A_179 = arith.constant 4 : i32
      %ge3A_180 = arith.cmpi sge, %add3A_178, %ge3A_179 : i32
      %convert_element_type3A_181 = arith.extui %ge3A_180 : i1 to i32
      %cond3A_182 = arith.constant 0 : i32
      %cond3A_183 = arith.cmpi ne, %convert_element_type3A_181, %cond3A_182 : i32
      scf.if %cond3A_183 {
        %sub3A = arith.constant 4 : i32
        %sub3A_271 = arith.subi %add3A_178, %sub3A : i32
        %mul3A_272 = arith.constant 8 : i32
        %mul3A_273 = arith.muli %sub3A_271, %mul3A_272 : i32
        %add3A_274 = arith.addi %mul3A_2, %mul3A_273 : i32
        %dma_wait3A_275 = arith.constant 1 : i32
        %dma_wait3A_276 = arith.constant 1 : i32
        %dma_wait3A_277 = tpu.memref_slice %arg6[%dma_wait3A_276] : memref<4x!tpu.dma_semaphore, #tpu.memory_space<semaphore_mem>> -> memref<1x!tpu.dma_semaphore, #tpu.memory_space<semaphore_mem>>
        %dma_wait3A_278 = tpu.memref_squeeze %dma_wait3A_277 : memref<1x!tpu.dma_semaphore, #tpu.memory_space<semaphore_mem>> -> memref<!tpu.dma_semaphore, #tpu.memory_space<semaphore_mem>>
        %dma_wait3A_279 = arith.constant 0 : i32
        %dma_wait3A_280 = tpu.memref_slice %arg3[%add3A_274, %dma_wait3A_279] : memref<16384x2048xf32, #tpu.memory_space<hbm>> -> memref<8x2048xf32, #tpu.memory_space<hbm>>
        %dma_wait3A_281 = arith.constant 0 : i32
        %dma_wait3A_282 = arith.constant 0 : i32
        %dma_wait3A_283 = arith.constant 0 : i32
        %dma_wait3A_284 = tpu.memref_slice %arg4[%arg1, %dma_wait3A_281, %dma_wait3A_282, %dma_wait3A_283] : memref<16x4x8x2048xf32, #tpu.memory_space<vmem_shared>> -> memref<1x4x8x2048xf32, #tpu.memory_space<vmem_shared>>
        %dma_wait3A_285 = tpu.memref_squeeze %dma_wait3A_284 : memref<1x4x8x2048xf32, #tpu.memory_space<vmem_shared>> -> memref<4x8x2048xf32, #tpu.memory_space<vmem_shared>>
        %dma_wait3A_286 = arith.constant 0 : i32
        %dma_wait3A_287 = arith.constant 0 : i32
        %dma_wait3A_288 = tpu.memref_slice %dma_wait3A_285[%dma_wait3A_275, %dma_wait3A_286, %dma_wait3A_287] : memref<4x8x2048xf32, #tpu.memory_space<vmem_shared>> -> memref<1x8x2048xf32, #tpu.memory_space<vmem_shared>>
        %dma_wait3A_289 = tpu.memref_squeeze %dma_wait3A_288 : memref<1x8x2048xf32, #tpu.memory_space<vmem_shared>> -> memref<8x2048xf32, #tpu.memory_space<vmem_shared>>
        tpu.wait_dma2 semaphore(%dma_wait3A_278 : memref<!tpu.dma_semaphore, #tpu.memory_space<semaphore_mem>>) src(%dma_wait3A_289 : memref<8x2048xf32, #tpu.memory_space<vmem_shared>>) dst(%dma_wait3A_280 : memref<8x2048xf32, #tpu.memory_space<hbm>>)
      } else {
      }
      %mul3A_184 = arith.constant 8 : i32
      %mul3A_185 = arith.muli %add3A_178, %mul3A_184 : i32
      %add3A_186 = arith.addi %mul3A_2, %mul3A_185 : i32
      %dma_start3A_187 = arith.constant 1 : i32
      %dma_start3A_188 = arith.constant 1 : i32
      %dma_start3A_189 = tpu.memref_slice %arg5[%dma_start3A_188] : memref<4x!tpu.dma_semaphore, #tpu.memory_space<semaphore_mem>> -> memref<1x!tpu.dma_semaphore, #tpu.memory_space<semaphore_mem>>
      %dma_start3A_190 = tpu.memref_squeeze %dma_start3A_189 : memref<1x!tpu.dma_semaphore, #tpu.memory_space<semaphore_mem>> -> memref<!tpu.dma_semaphore, #tpu.memory_space<semaphore_mem>>
      %dma_start3A_191 = arith.constant 0 : i32
      %dma_start3A_192 = arith.constant 0 : i32
      %dma_start3A_193 = arith.constant 0 : i32
      %dma_start3A_194 = tpu.memref_slice %arg4[%arg1, %dma_start3A_191, %dma_start3A_192, %dma_start3A_193] : memref<16x4x8x2048xf32, #tpu.memory_space<vmem_shared>> -> memref<1x4x8x2048xf32, #tpu.memory_space<vmem_shared>>
      %dma_start3A_195 = tpu.memref_squeeze %dma_start3A_194 : memref<1x4x8x2048xf32, #tpu.memory_space<vmem_shared>> -> memref<4x8x2048xf32, #tpu.memory_space<vmem_shared>>
      %dma_start3A_196 = arith.constant 0 : i32
      %dma_start3A_197 = arith.constant 0 : i32
      %dma_start3A_198 = tpu.memref_slice %dma_start3A_195[%dma_start3A_187, %dma_start3A_196, %dma_start3A_197] : memref<4x8x2048xf32, #tpu.memory_space<vmem_shared>> -> memref<1x8x2048xf32, #tpu.memory_space<vmem_shared>>
      %dma_start3A_199 = tpu.memref_squeeze %dma_start3A_198 : memref<1x8x2048xf32, #tpu.memory_space<vmem_shared>> -> memref<8x2048xf32, #tpu.memory_space<vmem_shared>>
      %dma_start3A_200 = arith.constant 0 : i32
      %dma_start3A_201 = tpu.memref_slice %arg2[%add3A_186, %dma_start3A_200] : memref<16384x2048xf32, #tpu.memory_space<hbm>> -> memref<8x2048xf32, #tpu.memory_space<hbm>>
      tpu.enqueue_dma source(%dma_start3A_201 : memref<8x2048xf32, #tpu.memory_space<hbm>>) target(%dma_start3A_199 : memref<8x2048xf32, #tpu.memory_space<vmem_shared>>) target_semaphore(%dma_start3A_190 : memref<!tpu.dma_semaphore, #tpu.memory_space<semaphore_mem>>)
      %ge3A_202 = arith.constant 2 : i32
      %ge3A_203 = arith.cmpi sge, %add3A_178, %ge3A_202 : i32
      %convert_element_type3A_204 = arith.extui %ge3A_203 : i1 to i32
      %cond3A_205 = arith.constant 0 : i32
      %cond3A_206 = arith.cmpi ne, %convert_element_type3A_204, %cond3A_205 : i32
      scf.if %cond3A_206 {
        %sub3A = arith.constant 2 : i32
        %sub3A_271 = arith.subi %add3A_178, %sub3A : i32
        %mul3A_272 = arith.constant 8 : i32
        %mul3A_273 = arith.muli %sub3A_271, %mul3A_272 : i32
        %add3A_274 = arith.addi %mul3A_2, %mul3A_273 : i32
        %dma_wait3A_275 = arith.constant 3 : i32
        %dma_wait3A_276 = arith.constant 3 : i32
        %dma_wait3A_277 = tpu.memref_slice %arg5[%dma_wait3A_276] : memref<4x!tpu.dma_semaphore, #tpu.memory_space<semaphore_mem>> -> memref<1x!tpu.dma_semaphore, #tpu.memory_space<semaphore_mem>>
        %dma_wait3A_278 = tpu.memref_squeeze %dma_wait3A_277 : memref<1x!tpu.dma_semaphore, #tpu.memory_space<semaphore_mem>> -> memref<!tpu.dma_semaphore, #tpu.memory_space<semaphore_mem>>
        %dma_wait3A_279 = arith.constant 0 : i32
        %dma_wait3A_280 = arith.constant 0 : i32
        %dma_wait3A_281 = arith.constant 0 : i32
        %dma_wait3A_282 = tpu.memref_slice %arg4[%arg1, %dma_wait3A_279, %dma_wait3A_280, %dma_wait3A_281] : memref<16x4x8x2048xf32, #tpu.memory_space<vmem_shared>> -> memref<1x4x8x2048xf32, #tpu.memory_space<vmem_shared>>
        %dma_wait3A_283 = tpu.memref_squeeze %dma_wait3A_282 : memref<1x4x8x2048xf32, #tpu.memory_space<vmem_shared>> -> memref<4x8x2048xf32, #tpu.memory_space<vmem_shared>>
        %dma_wait3A_284 = arith.constant 0 : i32
        %dma_wait3A_285 = arith.constant 0 : i32
        %dma_wait3A_286 = tpu.memref_slice %dma_wait3A_283[%dma_wait3A_275, %dma_wait3A_284, %dma_wait3A_285] : memref<4x8x2048xf32, #tpu.memory_space<vmem_shared>> -> memref<1x8x2048xf32, #tpu.memory_space<vmem_shared>>
        %dma_wait3A_287 = tpu.memref_squeeze %dma_wait3A_286 : memref<1x8x2048xf32, #tpu.memory_space<vmem_shared>> -> memref<8x2048xf32, #tpu.memory_space<vmem_shared>>
        %dma_wait3A_288 = arith.constant 0 : i32
        %dma_wait3A_289 = tpu.memref_slice %arg2[%add3A_274, %dma_wait3A_288] : memref<16384x2048xf32, #tpu.memory_space<hbm>> -> memref<8x2048xf32, #tpu.memory_space<hbm>>
        tpu.wait_dma2 semaphore(%dma_wait3A_278 : memref<!tpu.dma_semaphore, #tpu.memory_space<semaphore_mem>>) src(%dma_wait3A_289 : memref<8x2048xf32, #tpu.memory_space<hbm>>) dst(%dma_wait3A_287 : memref<8x2048xf32, #tpu.memory_space<vmem_shared>>)
        %sub3A_290 = arith.constant 2 : i32
        %sub3A_291 = arith.subi %add3A_178, %sub3A_290 : i32
        %mul3A_292 = arith.constant 8 : i32
        %mul3A_293 = arith.muli %sub3A_291, %mul3A_292 : i32
        %add3A_294 = arith.addi %mul3A_2, %mul3A_293 : i32
        %dma_start3A_295 = arith.constant 3 : i32
        %dma_start3A_296 = arith.constant 3 : i32
        %dma_start3A_297 = tpu.memref_slice %arg6[%dma_start3A_296] : memref<4x!tpu.dma_semaphore, #tpu.memory_space<semaphore_mem>> -> memref<1x!tpu.dma_semaphore, #tpu.memory_space<semaphore_mem>>
        %dma_start3A_298 = tpu.memref_squeeze %dma_start3A_297 : memref<1x!tpu.dma_semaphore, #tpu.memory_space<semaphore_mem>> -> memref<!tpu.dma_semaphore, #tpu.memory_space<semaphore_mem>>
        %dma_start3A_299 = arith.constant 0 : i32
        %dma_start3A_300 = tpu.memref_slice %arg3[%add3A_294, %dma_start3A_299] : memref<16384x2048xf32, #tpu.memory_space<hbm>> -> memref<8x2048xf32, #tpu.memory_space<hbm>>
        %dma_start3A_301 = arith.constant 0 : i32
        %dma_start3A_302 = arith.constant 0 : i32
        %dma_start3A_303 = arith.constant 0 : i32
        %dma_start3A_304 = tpu.memref_slice %arg4[%arg1, %dma_start3A_301, %dma_start3A_302, %dma_start3A_303] : memref<16x4x8x2048xf32, #tpu.memory_space<vmem_shared>> -> memref<1x4x8x2048xf32, #tpu.memory_space<vmem_shared>>
        %dma_start3A_305 = tpu.memref_squeeze %dma_start3A_304 : memref<1x4x8x2048xf32, #tpu.memory_space<vmem_shared>> -> memref<4x8x2048xf32, #tpu.memory_space<vmem_shared>>
        %dma_start3A_306 = arith.constant 0 : i32
        %dma_start3A_307 = arith.constant 0 : i32
        %dma_start3A_308 = tpu.memref_slice %dma_start3A_305[%dma_start3A_295, %dma_start3A_306, %dma_start3A_307] : memref<4x8x2048xf32, #tpu.memory_space<vmem_shared>> -> memref<1x8x2048xf32, #tpu.memory_space<vmem_shared>>
        %dma_start3A_309 = tpu.memref_squeeze %dma_start3A_308 : memref<1x8x2048xf32, #tpu.memory_space<vmem_shared>> -> memref<8x2048xf32, #tpu.memory_space<vmem_shared>>
        tpu.enqueue_dma source(%dma_start3A_309 : memref<8x2048xf32, #tpu.memory_space<vmem_shared>>) target(%dma_start3A_300 : memref<8x2048xf32, #tpu.memory_space<hbm>>) target_semaphore(%dma_start3A_298 : memref<!tpu.dma_semaphore, #tpu.memory_space<semaphore_mem>>)
      } else {
      }
      %mul3A_207 = arith.constant 4 : i32
      %mul3A_208 = arith.muli %add3A_145, %mul3A_207 : i32
      %add3A_209 = arith.constant 2 : i32
      %add3A_210 = arith.addi %mul3A_208, %add3A_209 : i32
      %ge3A_211 = arith.constant 4 : i32
      %ge3A_212 = arith.cmpi sge, %add3A_210, %ge3A_211 : i32
      %convert_element_type3A_213 = arith.extui %ge3A_212 : i1 to i32
      %cond3A_214 = arith.constant 0 : i32
      %cond3A_215 = arith.cmpi ne, %convert_element_type3A_213, %cond3A_214 : i32
      scf.if %cond3A_215 {
        %sub3A = arith.constant 4 : i32
        %sub3A_271 = arith.subi %add3A_210, %sub3A : i32
        %mul3A_272 = arith.constant 8 : i32
        %mul3A_273 = arith.muli %sub3A_271, %mul3A_272 : i32
        %add3A_274 = arith.addi %mul3A_2, %mul3A_273 : i32
        %dma_wait3A_275 = arith.constant 2 : i32
        %dma_wait3A_276 = arith.constant 2 : i32
        %dma_wait3A_277 = tpu.memref_slice %arg6[%dma_wait3A_276] : memref<4x!tpu.dma_semaphore, #tpu.memory_space<semaphore_mem>> -> memref<1x!tpu.dma_semaphore, #tpu.memory_space<semaphore_mem>>
        %dma_wait3A_278 = tpu.memref_squeeze %dma_wait3A_277 : memref<1x!tpu.dma_semaphore, #tpu.memory_space<semaphore_mem>> -> memref<!tpu.dma_semaphore, #tpu.memory_space<semaphore_mem>>
        %dma_wait3A_279 = arith.constant 0 : i32
        %dma_wait3A_280 = tpu.memref_slice %arg3[%add3A_274, %dma_wait3A_279] : memref<16384x2048xf32, #tpu.memory_space<hbm>> -> memref<8x2048xf32, #tpu.memory_space<hbm>>
        %dma_wait3A_281 = arith.constant 0 : i32
        %dma_wait3A_282 = arith.constant 0 : i32
        %dma_wait3A_283 = arith.constant 0 : i32
        %dma_wait3A_284 = tpu.memref_slice %arg4[%arg1, %dma_wait3A_281, %dma_wait3A_282, %dma_wait3A_283] : memref<16x4x8x2048xf32, #tpu.memory_space<vmem_shared>> -> memref<1x4x8x2048xf32, #tpu.memory_space<vmem_shared>>
        %dma_wait3A_285 = tpu.memref_squeeze %dma_wait3A_284 : memref<1x4x8x2048xf32, #tpu.memory_space<vmem_shared>> -> memref<4x8x2048xf32, #tpu.memory_space<vmem_shared>>
        %dma_wait3A_286 = arith.constant 0 : i32
        %dma_wait3A_287 = arith.constant 0 : i32
        %dma_wait3A_288 = tpu.memref_slice %dma_wait3A_285[%dma_wait3A_275, %dma_wait3A_286, %dma_wait3A_287] : memref<4x8x2048xf32, #tpu.memory_space<vmem_shared>> -> memref<1x8x2048xf32, #tpu.memory_space<vmem_shared>>
        %dma_wait3A_289 = tpu.memref_squeeze %dma_wait3A_288 : memref<1x8x2048xf32, #tpu.memory_space<vmem_shared>> -> memref<8x2048xf32, #tpu.memory_space<vmem_shared>>
        tpu.wait_dma2 semaphore(%dma_wait3A_278 : memref<!tpu.dma_semaphore, #tpu.memory_space<semaphore_mem>>) src(%dma_wait3A_289 : memref<8x2048xf32, #tpu.memory_space<vmem_shared>>) dst(%dma_wait3A_280 : memref<8x2048xf32, #tpu.memory_space<hbm>>)
      } else {
      }
      %mul3A_216 = arith.constant 8 : i32
      %mul3A_217 = arith.muli %add3A_210, %mul3A_216 : i32
      %add3A_218 = arith.addi %mul3A_2, %mul3A_217 : i32
      %dma_start3A_219 = arith.constant 2 : i32
      %dma_start3A_220 = arith.constant 2 : i32
      %dma_start3A_221 = tpu.memref_slice %arg5[%dma_start3A_220] : memref<4x!tpu.dma_semaphore, #tpu.memory_space<semaphore_mem>> -> memref<1x!tpu.dma_semaphore, #tpu.memory_space<semaphore_mem>>
      %dma_start3A_222 = tpu.memref_squeeze %dma_start3A_221 : memref<1x!tpu.dma_semaphore, #tpu.memory_space<semaphore_mem>> -> memref<!tpu.dma_semaphore, #tpu.memory_space<semaphore_mem>>
      %dma_start3A_223 = arith.constant 0 : i32
      %dma_start3A_224 = arith.constant 0 : i32
      %dma_start3A_225 = arith.constant 0 : i32
      %dma_start3A_226 = tpu.memref_slice %arg4[%arg1, %dma_start3A_223, %dma_start3A_224, %dma_start3A_225] : memref<16x4x8x2048xf32, #tpu.memory_space<vmem_shared>> -> memref<1x4x8x2048xf32, #tpu.memory_space<vmem_shared>>
      %dma_start3A_227 = tpu.memref_squeeze %dma_start3A_226 : memref<1x4x8x2048xf32, #tpu.memory_space<vmem_shared>> -> memref<4x8x2048xf32, #tpu.memory_space<vmem_shared>>
      %dma_start3A_228 = arith.constant 0 : i32
      %dma_start3A_229 = arith.constant 0 : i32
      %dma_start3A_230 = tpu.memref_slice %dma_start3A_227[%dma_start3A_219, %dma_start3A_228, %dma_start3A_229] : memref<4x8x2048xf32, #tpu.memory_space<vmem_shared>> -> memref<1x8x2048xf32, #tpu.memory_space<vmem_shared>>
      %dma_start3A_231 = tpu.memref_squeeze %dma_start3A_230 : memref<1x8x2048xf32, #tpu.memory_space<vmem_shared>> -> memref<8x2048xf32, #tpu.memory_space<vmem_shared>>
      %dma_start3A_232 = arith.constant 0 : i32
      %dma_start3A_233 = tpu.memref_slice %arg2[%add3A_218, %dma_start3A_232] : memref<16384x2048xf32, #tpu.memory_space<hbm>> -> memref<8x2048xf32, #tpu.memory_space<hbm>>
      tpu.enqueue_dma source(%dma_start3A_233 : memref<8x2048xf32, #tpu.memory_space<hbm>>) target(%dma_start3A_231 : memref<8x2048xf32, #tpu.memory_space<vmem_shared>>) target_semaphore(%dma_start3A_222 : memref<!tpu.dma_semaphore, #tpu.memory_space<semaphore_mem>>)
      %ge3A_234 = arith.constant 2 : i32
      %ge3A_235 = arith.cmpi sge, %add3A_210, %ge3A_234 : i32
      %convert_element_type3A_236 = arith.extui %ge3A_235 : i1 to i32
      %cond3A_237 = arith.constant 0 : i32
      %cond3A_238 = arith.cmpi ne, %convert_element_type3A_236, %cond3A_237 : i32
      scf.if %cond3A_238 {
        %sub3A = arith.constant 2 : i32
        %sub3A_271 = arith.subi %add3A_210, %sub3A : i32
        %mul3A_272 = arith.constant 8 : i32
        %mul3A_273 = arith.muli %sub3A_271, %mul3A_272 : i32
        %add3A_274 = arith.addi %mul3A_2, %mul3A_273 : i32
        %dma_wait3A_275 = arith.constant 0 : i32
        %dma_wait3A_276 = arith.constant 0 : i32
        %dma_wait3A_277 = tpu.memref_slice %arg5[%dma_wait3A_276] : memref<4x!tpu.dma_semaphore, #tpu.memory_space<semaphore_mem>> -> memref<1x!tpu.dma_semaphore, #tpu.memory_space<semaphore_mem>>
        %dma_wait3A_278 = tpu.memref_squeeze %dma_wait3A_277 : memref<1x!tpu.dma_semaphore, #tpu.memory_space<semaphore_mem>> -> memref<!tpu.dma_semaphore, #tpu.memory_space<semaphore_mem>>
        %dma_wait3A_279 = arith.constant 0 : i32
        %dma_wait3A_280 = arith.constant 0 : i32
        %dma_wait3A_281 = arith.constant 0 : i32
        %dma_wait3A_282 = tpu.memref_slice %arg4[%arg1, %dma_wait3A_279, %dma_wait3A_280, %dma_wait3A_281] : memref<16x4x8x2048xf32, #tpu.memory_space<vmem_shared>> -> memref<1x4x8x2048xf32, #tpu.memory_space<vmem_shared>>
        %dma_wait3A_283 = tpu.memref_squeeze %dma_wait3A_282 : memref<1x4x8x2048xf32, #tpu.memory_space<vmem_shared>> -> memref<4x8x2048xf32, #tpu.memory_space<vmem_shared>>
        %dma_wait3A_284 = arith.constant 0 : i32
        %dma_wait3A_285 = arith.constant 0 : i32
        %dma_wait3A_286 = tpu.memref_slice %dma_wait3A_283[%dma_wait3A_275, %dma_wait3A_284, %dma_wait3A_285] : memref<4x8x2048xf32, #tpu.memory_space<vmem_shared>> -> memref<1x8x2048xf32, #tpu.memory_space<vmem_shared>>
        %dma_wait3A_287 = tpu.memref_squeeze %dma_wait3A_286 : memref<1x8x2048xf32, #tpu.memory_space<vmem_shared>> -> memref<8x2048xf32, #tpu.memory_space<vmem_shared>>
        %dma_wait3A_288 = arith.constant 0 : i32
        %dma_wait3A_289 = tpu.memref_slice %arg2[%add3A_274, %dma_wait3A_288] : memref<16384x2048xf32, #tpu.memory_space<hbm>> -> memref<8x2048xf32, #tpu.memory_space<hbm>>
        tpu.wait_dma2 semaphore(%dma_wait3A_278 : memref<!tpu.dma_semaphore, #tpu.memory_space<semaphore_mem>>) src(%dma_wait3A_289 : memref<8x2048xf32, #tpu.memory_space<hbm>>) dst(%dma_wait3A_287 : memref<8x2048xf32, #tpu.memory_space<vmem_shared>>)
        %sub3A_290 = arith.constant 2 : i32
        %sub3A_291 = arith.subi %add3A_210, %sub3A_290 : i32
        %mul3A_292 = arith.constant 8 : i32
        %mul3A_293 = arith.muli %sub3A_291, %mul3A_292 : i32
        %add3A_294 = arith.addi %mul3A_2, %mul3A_293 : i32
        %dma_start3A_295 = arith.constant 0 : i32
        %dma_start3A_296 = arith.constant 0 : i32
        %dma_start3A_297 = tpu.memref_slice %arg6[%dma_start3A_296] : memref<4x!tpu.dma_semaphore, #tpu.memory_space<semaphore_mem>> -> memref<1x!tpu.dma_semaphore, #tpu.memory_space<semaphore_mem>>
        %dma_start3A_298 = tpu.memref_squeeze %dma_start3A_297 : memref<1x!tpu.dma_semaphore, #tpu.memory_space<semaphore_mem>> -> memref<!tpu.dma_semaphore, #tpu.memory_space<semaphore_mem>>
        %dma_start3A_299 = arith.constant 0 : i32
        %dma_start3A_300 = tpu.memref_slice %arg3[%add3A_294, %dma_start3A_299] : memref<16384x2048xf32, #tpu.memory_space<hbm>> -> memref<8x2048xf32, #tpu.memory_space<hbm>>
        %dma_start3A_301 = arith.constant 0 : i32
        %dma_start3A_302 = arith.constant 0 : i32
        %dma_start3A_303 = arith.constant 0 : i32
        %dma_start3A_304 = tpu.memref_slice %arg4[%arg1, %dma_start3A_301, %dma_start3A_302, %dma_start3A_303] : memref<16x4x8x2048xf32, #tpu.memory_space<vmem_shared>> -> memref<1x4x8x2048xf32, #tpu.memory_space<vmem_shared>>
        %dma_start3A_305 = tpu.memref_squeeze %dma_start3A_304 : memref<1x4x8x2048xf32, #tpu.memory_space<vmem_shared>> -> memref<4x8x2048xf32, #tpu.memory_space<vmem_shared>>
        %dma_start3A_306 = arith.constant 0 : i32
        %dma_start3A_307 = arith.constant 0 : i32
        %dma_start3A_308 = tpu.memref_slice %dma_start3A_305[%dma_start3A_295, %dma_start3A_306, %dma_start3A_307] : memref<4x8x2048xf32, #tpu.memory_space<vmem_shared>> -> memref<1x8x2048xf32, #tpu.memory_space<vmem_shared>>
        %dma_start3A_309 = tpu.memref_squeeze %dma_start3A_308 : memref<1x8x2048xf32, #tpu.memory_space<vmem_shared>> -> memref<8x2048xf32, #tpu.memory_space<vmem_shared>>
        tpu.enqueue_dma source(%dma_start3A_309 : memref<8x2048xf32, #tpu.memory_space<vmem_shared>>) target(%dma_start3A_300 : memref<8x2048xf32, #tpu.memory_space<hbm>>) target_semaphore(%dma_start3A_298 : memref<!tpu.dma_semaphore, #tpu.memory_space<semaphore_mem>>)
      } else {
      }
      %mul3A_239 = arith.constant 4 : i32
      %mul3A_240 = arith.muli %add3A_145, %mul3A_239 : i32
      %add3A_241 = arith.constant 3 : i32
      %add3A_242 = arith.addi %mul3A_240, %add3A_241 : i32
      %ge3A_243 = arith.constant 4 : i32
      %ge3A_244 = arith.cmpi sge, %add3A_242, %ge3A_243 : i32
      %convert_element_type3A_245 = arith.extui %ge3A_244 : i1 to i32
      %cond3A_246 = arith.constant 0 : i32
      %cond3A_247 = arith.cmpi ne, %convert_element_type3A_245, %cond3A_246 : i32
      scf.if %cond3A_247 {
        %sub3A = arith.constant 4 : i32
        %sub3A_271 = arith.subi %add3A_242, %sub3A : i32
        %mul3A_272 = arith.constant 8 : i32
        %mul3A_273 = arith.muli %sub3A_271, %mul3A_272 : i32
        %add3A_274 = arith.addi %mul3A_2, %mul3A_273 : i32
        %dma_wait3A_275 = arith.constant 3 : i32
        %dma_wait3A_276 = arith.constant 3 : i32
        %dma_wait3A_277 = tpu.memref_slice %arg6[%dma_wait3A_276] : memref<4x!tpu.dma_semaphore, #tpu.memory_space<semaphore_mem>> -> memref<1x!tpu.dma_semaphore, #tpu.memory_space<semaphore_mem>>
        %dma_wait3A_278 = tpu.memref_squeeze %dma_wait3A_277 : memref<1x!tpu.dma_semaphore, #tpu.memory_space<semaphore_mem>> -> memref<!tpu.dma_semaphore, #tpu.memory_space<semaphore_mem>>
        %dma_wait3A_279 = arith.constant 0 : i32
        %dma_wait3A_280 = tpu.memref_slice %arg3[%add3A_274, %dma_wait3A_279] : memref<16384x2048xf32, #tpu.memory_space<hbm>> -> memref<8x2048xf32, #tpu.memory_space<hbm>>
        %dma_wait3A_281 = arith.constant 0 : i32
        %dma_wait3A_282 = arith.constant 0 : i32
        %dma_wait3A_283 = arith.constant 0 : i32
        %dma_wait3A_284 = tpu.memref_slice %arg4[%arg1, %dma_wait3A_281, %dma_wait3A_282, %dma_wait3A_283] : memref<16x4x8x2048xf32, #tpu.memory_space<vmem_shared>> -> memref<1x4x8x2048xf32, #tpu.memory_space<vmem_shared>>
        %dma_wait3A_285 = tpu.memref_squeeze %dma_wait3A_284 : memref<1x4x8x2048xf32, #tpu.memory_space<vmem_shared>> -> memref<4x8x2048xf32, #tpu.memory_space<vmem_shared>>
        %dma_wait3A_286 = arith.constant 0 : i32
        %dma_wait3A_287 = arith.constant 0 : i32
        %dma_wait3A_288 = tpu.memref_slice %dma_wait3A_285[%dma_wait3A_275, %dma_wait3A_286, %dma_wait3A_287] : memref<4x8x2048xf32, #tpu.memory_space<vmem_shared>> -> memref<1x8x2048xf32, #tpu.memory_space<vmem_shared>>
        %dma_wait3A_289 = tpu.memref_squeeze %dma_wait3A_288 : memref<1x8x2048xf32, #tpu.memory_space<vmem_shared>> -> memref<8x2048xf32, #tpu.memory_space<vmem_shared>>
        tpu.wait_dma2 semaphore(%dma_wait3A_278 : memref<!tpu.dma_semaphore, #tpu.memory_space<semaphore_mem>>) src(%dma_wait3A_289 : memref<8x2048xf32, #tpu.memory_space<vmem_shared>>) dst(%dma_wait3A_280 : memref<8x2048xf32, #tpu.memory_space<hbm>>)
      } else {
      }
      %mul3A_248 = arith.constant 8 : i32
      %mul3A_249 = arith.muli %add3A_242, %mul3A_248 : i32
      %add3A_250 = arith.addi %mul3A_2, %mul3A_249 : i32
      %dma_start3A_251 = arith.constant 3 : i32
      %dma_start3A_252 = arith.constant 3 : i32
      %dma_start3A_253 = tpu.memref_slice %arg5[%dma_start3A_252] : memref<4x!tpu.dma_semaphore, #tpu.memory_space<semaphore_mem>> -> memref<1x!tpu.dma_semaphore, #tpu.memory_space<semaphore_mem>>
      %dma_start3A_254 = tpu.memref_squeeze %dma_start3A_253 : memref<1x!tpu.dma_semaphore, #tpu.memory_space<semaphore_mem>> -> memref<!tpu.dma_semaphore, #tpu.memory_space<semaphore_mem>>
      %dma_start3A_255 = arith.constant 0 : i32
      %dma_start3A_256 = arith.constant 0 : i32
      %dma_start3A_257 = arith.constant 0 : i32
      %dma_start3A_258 = tpu.memref_slice %arg4[%arg1, %dma_start3A_255, %dma_start3A_256, %dma_start3A_257] : memref<16x4x8x2048xf32, #tpu.memory_space<vmem_shared>> -> memref<1x4x8x2048xf32, #tpu.memory_space<vmem_shared>>
      %dma_start3A_259 = tpu.memref_squeeze %dma_start3A_258 : memref<1x4x8x2048xf32, #tpu.memory_space<vmem_shared>> -> memref<4x8x2048xf32, #tpu.memory_space<vmem_shared>>
      %dma_start3A_260 = arith.constant 0 : i32
      %dma_start3A_261 = arith.constant 0 : i32
      %dma_start3A_262 = tpu.memref_slice %dma_start3A_259[%dma_start3A_251, %dma_start3A_260, %dma_start3A_261] : memref<4x8x2048xf32, #tpu.memory_space<vmem_shared>> -> memref<1x8x2048xf32, #tpu.memory_space<vmem_shared>>
      %dma_start3A_263 = tpu.memref_squeeze %dma_start3A_262 : memref<1x8x2048xf32, #tpu.memory_space<vmem_shared>> -> memref<8x2048xf32, #tpu.memory_space<vmem_shared>>
      %dma_start3A_264 = arith.constant 0 : i32
      %dma_start3A_265 = tpu.memref_slice %arg2[%add3A_250, %dma_start3A_264] : memref<16384x2048xf32, #tpu.memory_space<hbm>> -> memref<8x2048xf32, #tpu.memory_space<hbm>>
      tpu.enqueue_dma source(%dma_start3A_265 : memref<8x2048xf32, #tpu.memory_space<hbm>>) target(%dma_start3A_263 : memref<8x2048xf32, #tpu.memory_space<vmem_shared>>) target_semaphore(%dma_start3A_254 : memref<!tpu.dma_semaphore, #tpu.memory_space<semaphore_mem>>)
      %ge3A_266 = arith.constant 2 : i32
      %ge3A_267 = arith.cmpi sge, %add3A_242, %ge3A_266 : i32
      %convert_element_type3A_268 = arith.extui %ge3A_267 : i1 to i32
      %cond3A_269 = arith.constant 0 : i32
      %cond3A_270 = arith.cmpi ne, %convert_element_type3A_268, %cond3A_269 : i32
      scf.if %cond3A_270 {
        %sub3A = arith.constant 2 : i32
        %sub3A_271 = arith.subi %add3A_242, %sub3A : i32
        %mul3A_272 = arith.constant 8 : i32
        %mul3A_273 = arith.muli %sub3A_271, %mul3A_272 : i32
        %add3A_274 = arith.addi %mul3A_2, %mul3A_273 : i32
        %dma_wait3A_275 = arith.constant 1 : i32
        %dma_wait3A_276 = arith.constant 1 : i32
        %dma_wait3A_277 = tpu.memref_slice %arg5[%dma_wait3A_276] : memref<4x!tpu.dma_semaphore, #tpu.memory_space<semaphore_mem>> -> memref<1x!tpu.dma_semaphore, #tpu.memory_space<semaphore_mem>>
        %dma_wait3A_278 = tpu.memref_squeeze %dma_wait3A_277 : memref<1x!tpu.dma_semaphore, #tpu.memory_space<semaphore_mem>> -> memref<!tpu.dma_semaphore, #tpu.memory_space<semaphore_mem>>
        %dma_wait3A_279 = arith.constant 0 : i32
        %dma_wait3A_280 = arith.constant 0 : i32
        %dma_wait3A_281 = arith.constant 0 : i32
        %dma_wait3A_282 = tpu.memref_slice %arg4[%arg1, %dma_wait3A_279, %dma_wait3A_280, %dma_wait3A_281] : memref<16x4x8x2048xf32, #tpu.memory_space<vmem_shared>> -> memref<1x4x8x2048xf32, #tpu.memory_space<vmem_shared>>
        %dma_wait3A_283 = tpu.memref_squeeze %dma_wait3A_282 : memref<1x4x8x2048xf32, #tpu.memory_space<vmem_shared>> -> memref<4x8x2048xf32, #tpu.memory_space<vmem_shared>>
        %dma_wait3A_284 = arith.constant 0 : i32
        %dma_wait3A_285 = arith.constant 0 : i32
        %dma_wait3A_286 = tpu.memref_slice %dma_wait3A_283[%dma_wait3A_275, %dma_wait3A_284, %dma_wait3A_285] : memref<4x8x2048xf32, #tpu.memory_space<vmem_shared>> -> memref<1x8x2048xf32, #tpu.memory_space<vmem_shared>>
        %dma_wait3A_287 = tpu.memref_squeeze %dma_wait3A_286 : memref<1x8x2048xf32, #tpu.memory_space<vmem_shared>> -> memref<8x2048xf32, #tpu.memory_space<vmem_shared>>
        %dma_wait3A_288 = arith.constant 0 : i32
        %dma_wait3A_289 = tpu.memref_slice %arg2[%add3A_274, %dma_wait3A_288] : memref<16384x2048xf32, #tpu.memory_space<hbm>> -> memref<8x2048xf32, #tpu.memory_space<hbm>>
        tpu.wait_dma2 semaphore(%dma_wait3A_278 : memref<!tpu.dma_semaphore, #tpu.memory_space<semaphore_mem>>) src(%dma_wait3A_289 : memref<8x2048xf32, #tpu.memory_space<hbm>>) dst(%dma_wait3A_287 : memref<8x2048xf32, #tpu.memory_space<vmem_shared>>)
        %sub3A_290 = arith.constant 2 : i32
        %sub3A_291 = arith.subi %add3A_242, %sub3A_290 : i32
        %mul3A_292 = arith.constant 8 : i32
        %mul3A_293 = arith.muli %sub3A_291, %mul3A_292 : i32
        %add3A_294 = arith.addi %mul3A_2, %mul3A_293 : i32
        %dma_start3A_295 = arith.constant 1 : i32
        %dma_start3A_296 = arith.constant 1 : i32
        %dma_start3A_297 = tpu.memref_slice %arg6[%dma_start3A_296] : memref<4x!tpu.dma_semaphore, #tpu.memory_space<semaphore_mem>> -> memref<1x!tpu.dma_semaphore, #tpu.memory_space<semaphore_mem>>
        %dma_start3A_298 = tpu.memref_squeeze %dma_start3A_297 : memref<1x!tpu.dma_semaphore, #tpu.memory_space<semaphore_mem>> -> memref<!tpu.dma_semaphore, #tpu.memory_space<semaphore_mem>>
        %dma_start3A_299 = arith.constant 0 : i32
        %dma_start3A_300 = tpu.memref_slice %arg3[%add3A_294, %dma_start3A_299] : memref<16384x2048xf32, #tpu.memory_space<hbm>> -> memref<8x2048xf32, #tpu.memory_space<hbm>>
        %dma_start3A_301 = arith.constant 0 : i32
        %dma_start3A_302 = arith.constant 0 : i32
        %dma_start3A_303 = arith.constant 0 : i32
        %dma_start3A_304 = tpu.memref_slice %arg4[%arg1, %dma_start3A_301, %dma_start3A_302, %dma_start3A_303] : memref<16x4x8x2048xf32, #tpu.memory_space<vmem_shared>> -> memref<1x4x8x2048xf32, #tpu.memory_space<vmem_shared>>
        %dma_start3A_305 = tpu.memref_squeeze %dma_start3A_304 : memref<1x4x8x2048xf32, #tpu.memory_space<vmem_shared>> -> memref<4x8x2048xf32, #tpu.memory_space<vmem_shared>>
        %dma_start3A_306 = arith.constant 0 : i32
        %dma_start3A_307 = arith.constant 0 : i32
        %dma_start3A_308 = tpu.memref_slice %dma_start3A_305[%dma_start3A_295, %dma_start3A_306, %dma_start3A_307] : memref<4x8x2048xf32, #tpu.memory_space<vmem_shared>> -> memref<1x8x2048xf32, #tpu.memory_space<vmem_shared>>
        %dma_start3A_309 = tpu.memref_squeeze %dma_start3A_308 : memref<1x8x2048xf32, #tpu.memory_space<vmem_shared>> -> memref<8x2048xf32, #tpu.memory_space<vmem_shared>>
        tpu.enqueue_dma source(%dma_start3A_309 : memref<8x2048xf32, #tpu.memory_space<vmem_shared>>) target(%dma_start3A_300 : memref<8x2048xf32, #tpu.memory_space<hbm>>) target_semaphore(%dma_start3A_298 : memref<!tpu.dma_semaphore, #tpu.memory_space<semaphore_mem>>)
      } else {
      }
    }
    %scan3A_6 = arith.constant 16 : i32
    %add3A_7 = arith.constant 496 : i32
    %add3A_8 = arith.addi %mul3A_2, %add3A_7 : i32
    %dma_wait3A = arith.constant 2 : i32
    %dma_wait3A_9 = arith.constant 2 : i32
    %dma_wait3A_10 = tpu.memref_slice %arg5[%dma_wait3A_9] : memref<4x!tpu.dma_semaphore, #tpu.memory_space<semaphore_mem>> -> memref<1x!tpu.dma_semaphore, #tpu.memory_space<semaphore_mem>>
    %dma_wait3A_11 = tpu.memref_squeeze %dma_wait3A_10 : memref<1x!tpu.dma_semaphore, #tpu.memory_space<semaphore_mem>> -> memref<!tpu.dma_semaphore, #tpu.memory_space<semaphore_mem>>
    %dma_wait3A_12 = arith.constant 0 : i32
    %dma_wait3A_13 = arith.constant 0 : i32
    %dma_wait3A_14 = arith.constant 0 : i32
    %dma_wait3A_15 = tpu.memref_slice %arg4[%arg1, %dma_wait3A_12, %dma_wait3A_13, %dma_wait3A_14] : memref<16x4x8x2048xf32, #tpu.memory_space<vmem_shared>> -> memref<1x4x8x2048xf32, #tpu.memory_space<vmem_shared>>
    %dma_wait3A_16 = tpu.memref_squeeze %dma_wait3A_15 : memref<1x4x8x2048xf32, #tpu.memory_space<vmem_shared>> -> memref<4x8x2048xf32, #tpu.memory_space<vmem_shared>>
    %dma_wait3A_17 = arith.constant 0 : i32
    %dma_wait3A_18 = arith.constant 0 : i32
    %dma_wait3A_19 = tpu.memref_slice %dma_wait3A_16[%dma_wait3A, %dma_wait3A_17, %dma_wait3A_18] : memref<4x8x2048xf32, #tpu.memory_space<vmem_shared>> -> memref<1x8x2048xf32, #tpu.memory_space<vmem_shared>>
    %dma_wait3A_20 = tpu.memref_squeeze %dma_wait3A_19 : memref<1x8x2048xf32, #tpu.memory_space<vmem_shared>> -> memref<8x2048xf32, #tpu.memory_space<vmem_shared>>
    %dma_wait3A_21 = arith.constant 0 : i32
    %dma_wait3A_22 = tpu.memref_slice %arg2[%add3A_8, %dma_wait3A_21] : memref<16384x2048xf32, #tpu.memory_space<hbm>> -> memref<8x2048xf32, #tpu.memory_space<hbm>>
    tpu.wait_dma2 semaphore(%dma_wait3A_11 : memref<!tpu.dma_semaphore, #tpu.memory_space<semaphore_mem>>) src(%dma_wait3A_22 : memref<8x2048xf32, #tpu.memory_space<hbm>>) dst(%dma_wait3A_20 : memref<8x2048xf32, #tpu.memory_space<vmem_shared>>)
    %add3A_23 = arith.constant 496 : i32
    %add3A_24 = arith.addi %mul3A_2, %add3A_23 : i32
    %dma_start3A = arith.constant 2 : i32
    %dma_start3A_25 = arith.constant 2 : i32
    %dma_start3A_26 = tpu.memref_slice %arg6[%dma_start3A_25] : memref<4x!tpu.dma_semaphore, #tpu.memory_space<semaphore_mem>> -> memref<1x!tpu.dma_semaphore, #tpu.memory_space<semaphore_mem>>
    %dma_start3A_27 = tpu.memref_squeeze %dma_start3A_26 : memref<1x!tpu.dma_semaphore, #tpu.memory_space<semaphore_mem>> -> memref<!tpu.dma_semaphore, #tpu.memory_space<semaphore_mem>>
    %dma_start3A_28 = arith.constant 0 : i32
    %dma_start3A_29 = tpu.memref_slice %arg3[%add3A_24, %dma_start3A_28] : memref<16384x2048xf32, #tpu.memory_space<hbm>> -> memref<8x2048xf32, #tpu.memory_space<hbm>>
    %dma_start3A_30 = arith.constant 0 : i32
    %dma_start3A_31 = arith.constant 0 : i32
    %dma_start3A_32 = arith.constant 0 : i32
    %dma_start3A_33 = tpu.memref_slice %arg4[%arg1, %dma_start3A_30, %dma_start3A_31, %dma_start3A_32] : memref<16x4x8x2048xf32, #tpu.memory_space<vmem_shared>> -> memref<1x4x8x2048xf32, #tpu.memory_space<vmem_shared>>
    %dma_start3A_34 = tpu.memref_squeeze %dma_start3A_33 : memref<1x4x8x2048xf32, #tpu.memory_space<vmem_shared>> -> memref<4x8x2048xf32, #tpu.memory_space<vmem_shared>>
    %dma_start3A_35 = arith.constant 0 : i32
    %dma_start3A_36 = arith.constant 0 : i32
    %dma_start3A_37 = tpu.memref_slice %dma_start3A_34[%dma_start3A, %dma_start3A_35, %dma_start3A_36] : memref<4x8x2048xf32, #tpu.memory_space<vmem_shared>> -> memref<1x8x2048xf32, #tpu.memory_space<vmem_shared>>
    %dma_start3A_38 = tpu.memref_squeeze %dma_start3A_37 : memref<1x8x2048xf32, #tpu.memory_space<vmem_shared>> -> memref<8x2048xf32, #tpu.memory_space<vmem_shared>>
    tpu.enqueue_dma source(%dma_start3A_38 : memref<8x2048xf32, #tpu.memory_space<vmem_shared>>) target(%dma_start3A_29 : memref<8x2048xf32, #tpu.memory_space<hbm>>) target_semaphore(%dma_start3A_27 : memref<!tpu.dma_semaphore, #tpu.memory_space<semaphore_mem>>)
    %add3A_39 = arith.constant 504 : i32
    %add3A_40 = arith.addi %mul3A_2, %add3A_39 : i32
    %dma_wait3A_41 = arith.constant 3 : i32
    %dma_wait3A_42 = arith.constant 3 : i32
    %dma_wait3A_43 = tpu.memref_slice %arg5[%dma_wait3A_42] : memref<4x!tpu.dma_semaphore, #tpu.memory_space<semaphore_mem>> -> memref<1x!tpu.dma_semaphore, #tpu.memory_space<semaphore_mem>>
    %dma_wait3A_44 = tpu.memref_squeeze %dma_wait3A_43 : memref<1x!tpu.dma_semaphore, #tpu.memory_space<semaphore_mem>> -> memref<!tpu.dma_semaphore, #tpu.memory_space<semaphore_mem>>
    %dma_wait3A_45 = arith.constant 0 : i32
    %dma_wait3A_46 = arith.constant 0 : i32
    %dma_wait3A_47 = arith.constant 0 : i32
    %dma_wait3A_48 = tpu.memref_slice %arg4[%arg1, %dma_wait3A_45, %dma_wait3A_46, %dma_wait3A_47] : memref<16x4x8x2048xf32, #tpu.memory_space<vmem_shared>> -> memref<1x4x8x2048xf32, #tpu.memory_space<vmem_shared>>
    %dma_wait3A_49 = tpu.memref_squeeze %dma_wait3A_48 : memref<1x4x8x2048xf32, #tpu.memory_space<vmem_shared>> -> memref<4x8x2048xf32, #tpu.memory_space<vmem_shared>>
    %dma_wait3A_50 = arith.constant 0 : i32
    %dma_wait3A_51 = arith.constant 0 : i32
    %dma_wait3A_52 = tpu.memref_slice %dma_wait3A_49[%dma_wait3A_41, %dma_wait3A_50, %dma_wait3A_51] : memref<4x8x2048xf32, #tpu.memory_space<vmem_shared>> -> memref<1x8x2048xf32, #tpu.memory_space<vmem_shared>>
    %dma_wait3A_53 = tpu.memref_squeeze %dma_wait3A_52 : memref<1x8x2048xf32, #tpu.memory_space<vmem_shared>> -> memref<8x2048xf32, #tpu.memory_space<vmem_shared>>
    %dma_wait3A_54 = arith.constant 0 : i32
    %dma_wait3A_55 = tpu.memref_slice %arg2[%add3A_40, %dma_wait3A_54] : memref<16384x2048xf32, #tpu.memory_space<hbm>> -> memref<8x2048xf32, #tpu.memory_space<hbm>>
    tpu.wait_dma2 semaphore(%dma_wait3A_44 : memref<!tpu.dma_semaphore, #tpu.memory_space<semaphore_mem>>) src(%dma_wait3A_55 : memref<8x2048xf32, #tpu.memory_space<hbm>>) dst(%dma_wait3A_53 : memref<8x2048xf32, #tpu.memory_space<vmem_shared>>)
    %add3A_56 = arith.constant 504 : i32
    %add3A_57 = arith.addi %mul3A_2, %add3A_56 : i32
    %dma_start3A_58 = arith.constant 3 : i32
    %dma_start3A_59 = arith.constant 3 : i32
    %dma_start3A_60 = tpu.memref_slice %arg6[%dma_start3A_59] : memref<4x!tpu.dma_semaphore, #tpu.memory_space<semaphore_mem>> -> memref<1x!tpu.dma_semaphore, #tpu.memory_space<semaphore_mem>>
    %dma_start3A_61 = tpu.memref_squeeze %dma_start3A_60 : memref<1x!tpu.dma_semaphore, #tpu.memory_space<semaphore_mem>> -> memref<!tpu.dma_semaphore, #tpu.memory_space<semaphore_mem>>
    %dma_start3A_62 = arith.constant 0 : i32
    %dma_start3A_63 = tpu.memref_slice %arg3[%add3A_57, %dma_start3A_62] : memref<16384x2048xf32, #tpu.memory_space<hbm>> -> memref<8x2048xf32, #tpu.memory_space<hbm>>
    %dma_start3A_64 = arith.constant 0 : i32
    %dma_start3A_65 = arith.constant 0 : i32
    %dma_start3A_66 = arith.constant 0 : i32
    %dma_start3A_67 = tpu.memref_slice %arg4[%arg1, %dma_start3A_64, %dma_start3A_65, %dma_start3A_66] : memref<16x4x8x2048xf32, #tpu.memory_space<vmem_shared>> -> memref<1x4x8x2048xf32, #tpu.memory_space<vmem_shared>>
    %dma_start3A_68 = tpu.memref_squeeze %dma_start3A_67 : memref<1x4x8x2048xf32, #tpu.memory_space<vmem_shared>> -> memref<4x8x2048xf32, #tpu.memory_space<vmem_shared>>
    %dma_start3A_69 = arith.constant 0 : i32
    %dma_start3A_70 = arith.constant 0 : i32
    %dma_start3A_71 = tpu.memref_slice %dma_start3A_68[%dma_start3A_58, %dma_start3A_69, %dma_start3A_70] : memref<4x8x2048xf32, #tpu.memory_space<vmem_shared>> -> memref<1x8x2048xf32, #tpu.memory_space<vmem_shared>>
    %dma_start3A_72 = tpu.memref_squeeze %dma_start3A_71 : memref<1x8x2048xf32, #tpu.memory_space<vmem_shared>> -> memref<8x2048xf32, #tpu.memory_space<vmem_shared>>
    tpu.enqueue_dma source(%dma_start3A_72 : memref<8x2048xf32, #tpu.memory_space<vmem_shared>>) target(%dma_start3A_63 : memref<8x2048xf32, #tpu.memory_space<hbm>>) target_semaphore(%dma_start3A_61 : memref<!tpu.dma_semaphore, #tpu.memory_space<semaphore_mem>>)
    %add3A_73 = arith.constant 480 : i32
    %add3A_74 = arith.addi %mul3A_2, %add3A_73 : i32
    %dma_wait3A_75 = arith.constant 0 : i32
    %dma_wait3A_76 = arith.constant 0 : i32
    %dma_wait3A_77 = tpu.memref_slice %arg6[%dma_wait3A_76] : memref<4x!tpu.dma_semaphore, #tpu.memory_space<semaphore_mem>> -> memref<1x!tpu.dma_semaphore, #tpu.memory_space<semaphore_mem>>
    %dma_wait3A_78 = tpu.memref_squeeze %dma_wait3A_77 : memref<1x!tpu.dma_semaphore, #tpu.memory_space<semaphore_mem>> -> memref<!tpu.dma_semaphore, #tpu.memory_space<semaphore_mem>>
    %dma_wait3A_79 = arith.constant 0 : i32
    %dma_wait3A_80 = tpu.memref_slice %arg3[%add3A_74, %dma_wait3A_79] : memref<16384x2048xf32, #tpu.memory_space<hbm>> -> memref<8x2048xf32, #tpu.memory_space<hbm>>
    %dma_wait3A_81 = arith.constant 0 : i32
    %dma_wait3A_82 = arith.constant 0 : i32
    %dma_wait3A_83 = arith.constant 0 : i32
    %dma_wait3A_84 = tpu.memref_slice %arg4[%arg1, %dma_wait3A_81, %dma_wait3A_82, %dma_wait3A_83] : memref<16x4x8x2048xf32, #tpu.memory_space<vmem_shared>> -> memref<1x4x8x2048xf32, #tpu.memory_space<vmem_shared>>
    %dma_wait3A_85 = tpu.memref_squeeze %dma_wait3A_84 : memref<1x4x8x2048xf32, #tpu.memory_space<vmem_shared>> -> memref<4x8x2048xf32, #tpu.memory_space<vmem_shared>>
    %dma_wait3A_86 = arith.constant 0 : i32
    %dma_wait3A_87 = arith.constant 0 : i32
    %dma_wait3A_88 = tpu.memref_slice %dma_wait3A_85[%dma_wait3A_75, %dma_wait3A_86, %dma_wait3A_87] : memref<4x8x2048xf32, #tpu.memory_space<vmem_shared>> -> memref<1x8x2048xf32, #tpu.memory_space<vmem_shared>>
    %dma_wait3A_89 = tpu.memref_squeeze %dma_wait3A_88 : memref<1x8x2048xf32, #tpu.memory_space<vmem_shared>> -> memref<8x2048xf32, #tpu.memory_space<vmem_shared>>
    tpu.wait_dma2 semaphore(%dma_wait3A_78 : memref<!tpu.dma_semaphore, #tpu.memory_space<semaphore_mem>>) src(%dma_wait3A_89 : memref<8x2048xf32, #tpu.memory_space<vmem_shared>>) dst(%dma_wait3A_80 : memref<8x2048xf32, #tpu.memory_space<hbm>>)
    %add3A_90 = arith.constant 488 : i32
    %add3A_91 = arith.addi %mul3A_2, %add3A_90 : i32
    %dma_wait3A_92 = arith.constant 1 : i32
    %dma_wait3A_93 = arith.constant 1 : i32
    %dma_wait3A_94 = tpu.memref_slice %arg6[%dma_wait3A_93] : memref<4x!tpu.dma_semaphore, #tpu.memory_space<semaphore_mem>> -> memref<1x!tpu.dma_semaphore, #tpu.memory_space<semaphore_mem>>
    %dma_wait3A_95 = tpu.memref_squeeze %dma_wait3A_94 : memref<1x!tpu.dma_semaphore, #tpu.memory_space<semaphore_mem>> -> memref<!tpu.dma_semaphore, #tpu.memory_space<semaphore_mem>>
    %dma_wait3A_96 = arith.constant 0 : i32
    %dma_wait3A_97 = tpu.memref_slice %arg3[%add3A_91, %dma_wait3A_96] : memref<16384x2048xf32, #tpu.memory_space<hbm>> -> memref<8x2048xf32, #tpu.memory_space<hbm>>
    %dma_wait3A_98 = arith.constant 0 : i32
    %dma_wait3A_99 = arith.constant 0 : i32
    %dma_wait3A_100 = arith.constant 0 : i32
    %dma_wait3A_101 = tpu.memref_slice %arg4[%arg1, %dma_wait3A_98, %dma_wait3A_99, %dma_wait3A_100] : memref<16x4x8x2048xf32, #tpu.memory_space<vmem_shared>> -> memref<1x4x8x2048xf32, #tpu.memory_space<vmem_shared>>
    %dma_wait3A_102 = tpu.memref_squeeze %dma_wait3A_101 : memref<1x4x8x2048xf32, #tpu.memory_space<vmem_shared>> -> memref<4x8x2048xf32, #tpu.memory_space<vmem_shared>>
    %dma_wait3A_103 = arith.constant 0 : i32
    %dma_wait3A_104 = arith.constant 0 : i32
    %dma_wait3A_105 = tpu.memref_slice %dma_wait3A_102[%dma_wait3A_92, %dma_wait3A_103, %dma_wait3A_104] : memref<4x8x2048xf32, #tpu.memory_space<vmem_shared>> -> memref<1x8x2048xf32, #tpu.memory_space<vmem_shared>>
    %dma_wait3A_106 = tpu.memref_squeeze %dma_wait3A_105 : memref<1x8x2048xf32, #tpu.memory_space<vmem_shared>> -> memref<8x2048xf32, #tpu.memory_space<vmem_shared>>
    tpu.wait_dma2 semaphore(%dma_wait3A_95 : memref<!tpu.dma_semaphore, #tpu.memory_space<semaphore_mem>>) src(%dma_wait3A_106 : memref<8x2048xf32, #tpu.memory_space<vmem_shared>>) dst(%dma_wait3A_97 : memref<8x2048xf32, #tpu.memory_space<hbm>>)
    %add3A_107 = arith.constant 496 : i32
    %add3A_108 = arith.addi %mul3A_2, %add3A_107 : i32
    %dma_wait3A_109 = arith.constant 2 : i32
    %dma_wait3A_110 = arith.constant 2 : i32
    %dma_wait3A_111 = tpu.memref_slice %arg6[%dma_wait3A_110] : memref<4x!tpu.dma_semaphore, #tpu.memory_space<semaphore_mem>> -> memref<1x!tpu.dma_semaphore, #tpu.memory_space<semaphore_mem>>
    %dma_wait3A_112 = tpu.memref_squeeze %dma_wait3A_111 : memref<1x!tpu.dma_semaphore, #tpu.memory_space<semaphore_mem>> -> memref<!tpu.dma_semaphore, #tpu.memory_space<semaphore_mem>>
    %dma_wait3A_113 = arith.constant 0 : i32
    %dma_wait3A_114 = tpu.memref_slice %arg3[%add3A_108, %dma_wait3A_113] : memref<16384x2048xf32, #tpu.memory_space<hbm>> -> memref<8x2048xf32, #tpu.memory_space<hbm>>
    %dma_wait3A_115 = arith.constant 0 : i32
    %dma_wait3A_116 = arith.constant 0 : i32
    %dma_wait3A_117 = arith.constant 0 : i32
    %dma_wait3A_118 = tpu.memref_slice %arg4[%arg1, %dma_wait3A_115, %dma_wait3A_116, %dma_wait3A_117] : memref<16x4x8x2048xf32, #tpu.memory_space<vmem_shared>> -> memref<1x4x8x2048xf32, #tpu.memory_space<vmem_shared>>
    %dma_wait3A_119 = tpu.memref_squeeze %dma_wait3A_118 : memref<1x4x8x2048xf32, #tpu.memory_space<vmem_shared>> -> memref<4x8x2048xf32, #tpu.memory_space<vmem_shared>>
    %dma_wait3A_120 = arith.constant 0 : i32
    %dma_wait3A_121 = arith.constant 0 : i32
    %dma_wait3A_122 = tpu.memref_slice %dma_wait3A_119[%dma_wait3A_109, %dma_wait3A_120, %dma_wait3A_121] : memref<4x8x2048xf32, #tpu.memory_space<vmem_shared>> -> memref<1x8x2048xf32, #tpu.memory_space<vmem_shared>>
    %dma_wait3A_123 = tpu.memref_squeeze %dma_wait3A_122 : memref<1x8x2048xf32, #tpu.memory_space<vmem_shared>> -> memref<8x2048xf32, #tpu.memory_space<vmem_shared>>
    tpu.wait_dma2 semaphore(%dma_wait3A_112 : memref<!tpu.dma_semaphore, #tpu.memory_space<semaphore_mem>>) src(%dma_wait3A_123 : memref<8x2048xf32, #tpu.memory_space<vmem_shared>>) dst(%dma_wait3A_114 : memref<8x2048xf32, #tpu.memory_space<hbm>>)
    %add3A_124 = arith.constant 504 : i32
    %add3A_125 = arith.addi %mul3A_2, %add3A_124 : i32
    %dma_wait3A_126 = arith.constant 3 : i32
    %dma_wait3A_127 = arith.constant 3 : i32
    %dma_wait3A_128 = tpu.memref_slice %arg6[%dma_wait3A_127] : memref<4x!tpu.dma_semaphore, #tpu.memory_space<semaphore_mem>> -> memref<1x!tpu.dma_semaphore, #tpu.memory_space<semaphore_mem>>
    %dma_wait3A_129 = tpu.memref_squeeze %dma_wait3A_128 : memref<1x!tpu.dma_semaphore, #tpu.memory_space<semaphore_mem>> -> memref<!tpu.dma_semaphore, #tpu.memory_space<semaphore_mem>>
    %dma_wait3A_130 = arith.constant 0 : i32
    %dma_wait3A_131 = tpu.memref_slice %arg3[%add3A_125, %dma_wait3A_130] : memref<16384x2048xf32, #tpu.memory_space<hbm>> -> memref<8x2048xf32, #tpu.memory_space<hbm>>
    %dma_wait3A_132 = arith.constant 0 : i32
    %dma_wait3A_133 = arith.constant 0 : i32
    %dma_wait3A_134 = arith.constant 0 : i32
    %dma_wait3A_135 = tpu.memref_slice %arg4[%arg1, %dma_wait3A_132, %dma_wait3A_133, %dma_wait3A_134] : memref<16x4x8x2048xf32, #tpu.memory_space<vmem_shared>> -> memref<1x4x8x2048xf32, #tpu.memory_space<vmem_shared>>
    %dma_wait3A_136 = tpu.memref_squeeze %dma_wait3A_135 : memref<1x4x8x2048xf32, #tpu.memory_space<vmem_shared>> -> memref<4x8x2048xf32, #tpu.memory_space<vmem_shared>>
    %dma_wait3A_137 = arith.constant 0 : i32
    %dma_wait3A_138 = arith.constant 0 : i32
    %dma_wait3A_139 = tpu.memref_slice %dma_wait3A_136[%dma_wait3A_126, %dma_wait3A_137, %dma_wait3A_138] : memref<4x8x2048xf32, #tpu.memory_space<vmem_shared>> -> memref<1x8x2048xf32, #tpu.memory_space<vmem_shared>>
    %dma_wait3A_140 = tpu.memref_squeeze %dma_wait3A_139 : memref<1x8x2048xf32, #tpu.memory_space<vmem_shared>> -> memref<8x2048xf32, #tpu.memory_space<vmem_shared>>
    tpu.wait_dma2 semaphore(%dma_wait3A_129 : memref<!tpu.dma_semaphore, #tpu.memory_space<semaphore_mem>>) src(%dma_wait3A_140 : memref<8x2048xf32, #tpu.memory_space<vmem_shared>>) dst(%dma_wait3A_131 : memref<8x2048xf32, #tpu.memory_space<hbm>>)
    return
  }
}

</mosaic_0001>

<sc_bundles>
// kernel: kernel.3.cloned.1.call-start
scs
__scs_entry_jumppad:
0x0: {  	(pc) =	sbr.rel $0x88, $3  }
0x1: {  	(tag) =	ssettag $0x0;
	lr =	simm.s32 $0x1  }
0x2: {  	[smem:$0x3FA0] =	sst lr;
	_ =	strace $0xD0000000  }
0x3: {  	_ = 	snop  }
0x4: {  	_ = 	snop  }
0x5: {  	_ = 	snop  }
0x6: {  	_ = 	snop  }
0x7: {  	_ = 	snop  }
__scs_overlays_trampoline_lowered:
0x8: {  	[smem:$0x3FAF] =	sst s0  }
0x9: {  	[smem:$0x3FB0] =	sst s1  }
0xa: {  	[smem:$0x3FB1] =	sst s2  }
0xb: {  	[smem:$0x3FB2] =	sst s3  }
0xc: {  	[smem:$0x3FB3] =	sst s4  }
0xd: {  	[smem:$0x3FB4] =	sst s5  }
0xe: {  	[smem:$0x3FB5] =	sst s6  }
0xf: {  	[smem:$0x3FB6] =	sst s7  }
0x10: {  	[smem:$0x3FB7] =	sst s8  }
0x11: {  	[smem:$0x3FB8] =	sst s9;
	s0 =	simm.s32 @!p0 $0x0  }
0x12: {  	s1 =	sld [smem:$0x3F9E];
	s0 =	simm.s32 @p0 $0x1  }
0x13: {  	[smem:$0x3FB9] =	sst s0;
	s0 =	simm.s32 @!p1 $0x0  }
0x14: {  	s2 =	sld [smem:$0x3F9D];
	s0 =	simm.s32 @p1 $0x1  }
0x15: {  	[smem:$0x3FBA] =	sst s0;
	s0 =	simm.s32 @!p2 $0x0  }
0x16: {  	s3 =	sld [smem:$0x3FDB];
	s0 =	simm.s32 @p2 $0x1  }
0x17: {  	s4 =	simm.s32 $0x1BF5;
	[smem:$0x3FBC] =	sst s0  }
0x18: {  	s0 =	sld [smem:$0x3F9F];
	_ =	swait.ge [sflag:s4], $0x0  }
0x19: {  	s7 =	sld [smem:$0x3FA0]  }
0x1a: {  	s8 =	sadd.s32 $0xFFFFE003, lr  }
0x1b: {  	s9 =	sadd.s32 $0xFFFFFEF7, lr;
	s5 =	simm.s32 $0xFFFFFFFF;
	p2 =	slt.u32 s8, $0xFFFFF086  }
0x1c: {  	p1 =	slt.u32 s9, $0xF7A;
	s5 =	simm.s32 @!p2 $0x0  }
0x1d: {  	s5 =	simm.s32 @p1 $0x1;
	p0 =	seq.s32 s7, s2  }
0x1e: {  	s7 =	smul.u32 @!p0 $0xF7A, s2;
	p2 =	seq.s32 @!p0 s5, $0x0  }
0x1f: {  	s9 =	smul.u32 $0xF7A, s1;
	s8 =	simm.s32 @!p0 $0x1BF5;
	p2 =	por !p2, p0  }
0x20: {  	[sflag:s8] =	ssyncset.s32 @!p0 $0xFFFFF086;
	s6 =	sadd.s32 @!p0 s3, s7;
	s7 =	simm.s32 @!p0 $0x108  }
0x21: {  	s3 =	sadd.s32 s3, s9;
	s6 =	sadd.s32 @!p0 $0x88, s6;
	s7 =	simm.s32 @p2 $0x1082  }
0x22: {  	[simem:s7], [sflag:s8] =	dma.local @!p0 [hbm:s6], $0xF7A  }
0x23: {  	s9 =	sor.u32 $0xD0000000, s2;
	s6 =	simm.s32 $0x108;
	_ =	swait.ge @!p0 [sflag:s8], $0x0  }
0x24: {  	s3 =	sadd.s32 $0x88, s3;
	s6 =	simm.s32 @!p1 $0x1082;
	[sflag:s4] =	ssyncset.s32 $0xFFFFF086  }
0x25: {  	[simem:s6], [sflag:s4] =	dma.local [hbm:s3], $0xF7A  }
0x26: {  	[smem:$0x3FA0] =	sst s1;
	(tag) =	ssettag s2;
	_ =	strace s9  }
0x27: {  	s1 =	sld [smem:$0x3FB0]  }
0x28: {  	s2 =	sld [smem:$0x3FB1]  }
0x29: {  	s4 =	sld [smem:$0x3FB3]  }
0x2a: {  	p0 =	seq.s32 s5, $0x0;
	s5 =	sld [smem:$0x3FB4]  }
0x2b: {  	s6 =	sld [smem:$0x3FB5]  }
0x2c: {  	s7 =	sld [smem:$0x3FB6]  }
0x2d: {  	s3 =	simm.s32 $0x108;
	s8 =	sld [smem:$0x3FB7]  }
0x2e: {  	s3 =	simm.s32 @!p0 $0x1082;
	s9 =	sld [smem:$0x3FB8]  }
0x2f: {  	lr =	sadd.s32 s0, s3;
	s0 =	sld [smem:$0x3FAF]  }
0x30: {  	s3 =	sld [smem:$0x3FB2]  }
0x31: {  	[smem:$0x3FBB] =	sst s10  }
0x32: {  	s10 =	sld [smem:$0x3FB9];
	_ =	sdelay $0x3  }
0x33: {  	p0 =	seq.s32 s10, $0x1;
	s10 =	sld [smem:$0x3FBB];
	_ =	sdelay $0x3  }
0x34: {  	[smem:$0x3FBB] =	sst s10  }
0x35: {  	s10 =	sld [smem:$0x3FBA];
	_ =	sdelay $0x3  }
0x36: {  	p1 =	seq.s32 s10, $0x1;
	s10 =	sld [smem:$0x3FBB];
	_ =	sdelay $0x3  }
0x37: {  	[smem:$0x3FBB] =	sst s10  }
0x38: {  	s10 =	sld [smem:$0x3FBC]  }
0x39: {  	_ = 	snop;
	(pc) =	sbr.ind lr, $3  }
0x3a: {  	_ = 	snop  }
0x3b: {  	_ = 	snop  }
0x3c: {  	p2 =	seq.s32 s10, $0x1;
	s10 =	sld [smem:$0x3FBB]  }
0x3d: {  	_ =	shalt  }
0x3e: {  	_ =	shalt  }
0x3f: {  	_ =	shalt  }
0x40: {  	_ =	shalt  }
0x41: {  	_ =	shalt  }
0x42: {  	_ =	shalt  }
0x43: {  	_ =	shalt  }
0x44: {  	_ =	shalt  }
0x45: {  	_ =	shalt  }
0x46: {  	_ =	shalt  }
0x47: {  	_ =	shalt  }
0x48: {  	_ =	shalt  }
0x49: {  	_ =	shalt  }
0x4a: {  	_ =	shalt  }
0x4b: {  	_ =	shalt  }
0x4c: {  	_ =	shalt  }
0x4d: {  	_ =	shalt  }
0x4e: {  	_ =	shalt  }
0x4f: {  	_ =	shalt  }
0x50: {  	_ =	shalt  }
0x51: {  	_ =	shalt  }
0x52: {  	_ =	shalt  }
0x53: {  	_ =	shalt  }
0x54: {  	_ =	shalt  }
0x55: {  	_ =	shalt  }
0x56: {  	_ =	shalt  }
0x57: {  	_ =	shalt  }
0x58: {  	_ =	shalt  }
0x59: {  	_ =	shalt  }
0x5a: {  	_ =	shalt  }
0x5b: {  	_ =	shalt  }
0x5c: {  	_ =	shalt  }
0x5d: {  	_ =	shalt  }
0x5e: {  	_ =	shalt  }
0x5f: {  	_ =	shalt  }
0x60: {  	_ =	shalt  }
0x61: {  	_ =	shalt  }
0x62: {  	_ =	shalt  }
0x63: {  	_ =	shalt  }
0x64: {  	_ =	shalt  }
0x65: {  	_ =	shalt  }
0x66: {  	_ =	shalt  }
0x67: {  	_ =	shalt  }
0x68: {  	_ =	shalt  }
0x69: {  	_ =	shalt  }
0x6a: {  	_ =	shalt  }
0x6b: {  	_ =	shalt  }
0x6c: {  	_ =	shalt  }
0x6d: {  	_ =	shalt  }
0x6e: {  	_ =	shalt  }
0x6f: {  	_ =	shalt  }
0x70: {  	_ =	shalt  }
0x71: {  	_ =	shalt  }
0x72: {  	_ =	shalt  }
0x73: {  	_ =	shalt  }
0x74: {  	_ =	shalt  }
0x75: {  	_ =	shalt  }
0x76: {  	_ =	shalt  }
0x77: {  	_ =	shalt  }
0x78: {  	_ =	shalt  }
0x79: {  	_ =	shalt  }
0x7a: {  	_ =	shalt  }
0x7b: {  	_ =	shalt  }
0x7c: {  	_ =	shalt  }
0x7d: {  	_ =	shalt  }
0x7e: {  	_ =	shalt  }
0x7f: {  	_ =	shalt  }
0x80: {  	_ =	shalt  }
0x81: {  	_ =	shalt  }
0x82: {  	_ =	shalt  }
0x83: {  	_ =	shalt  }
0x84: {  	_ =	shalt  }
0x85: {  	_ =	shalt  }
0x86: {  	_ =	shalt  }
0x87: {  	_ =	shalt  }
.Lfunc_end0:
.L_simem_size_0:
called_computation_lowered:
.L_overlay_start_0:
0x88: {  	s2 =	sld [smem:$0x3FD9]  }
0x89: {  	s3 =	sld [smem:$0x3FFE];
	_ =	sdelay $0x1  }
0x8a: {  	s1 =	srdreg.scid  }
0x8b: {  	s0 =	sand.u32 $0x1, s1  }
0x8c: {  	s18 =	sshll.u32 s0, $0xA;
	s2 =	sadd.s32 s3, s2  }
0x8d: {  	s2 =	sadd.s32 s2, s18  }
0x8e: {  	[smem:$0x3FC7] =	sst s2  }
0x8f: {  	_ = 	snop  }
0x90: {  	s2 =	sld [smem:$0x3FC9]  }
0x91: {  	s19 =	sld [smem:$0x3FD0];
	(tm) =	ssettm $0x1  }
0x92: {  	s4 =	sld [smem:$0x3FFB];
	_ =	sdelay $0x3  }
0x93: {  	_ =	strace s4  }
0x94: {  	s4 =	sld [smem:$0x3FFC];
	_ =	sdelay $0x3  }
0x95: {  	_ =	strace s4  }
0x96: {  	s4 =	sld [smem:$0x3FFD];
	_ =	sdelay $0x3  }
0x97: {  	_ =	strace s4  }
0x98: {  	_ =	strace $0x8FFFFFFF  }
0x99: {  	s20 =	sld [smem:$0x3FDB];
	_ =	sdelay $0x1  }
0x9a: {  	s5 =	simm.s32 $_scs_section_size  }
0x9b: {  	s6 =	simm.s32 $_size__tile_overlayer_lowered;
	s7 =	simm.s32 $_tile_overlayer_lowered  }
0x9c: {  	s23 =	simm.s32 $0x1BFF;
	s22 =	sshll.u32 s7, $0x1;
	s4 =	sadd.s32 s5, s20  }
0x9d: {  	s8 =	simm.s32 $0x0;
	s21 =	sshll.u32 s6, $0x1;
	s6 =	sadd.s32 s22, s4  }
0x9e: {  	[timem:s8], [sflag:s23] =	dma.local [hbm:s6], s21  }
0x9f: {  	_ =	swait.ge [sflag:s23], s21  }
0xa0: {  	s5 =	ssub.s32 $0x0, s21;
	[sflag:s23] =	ssyncset.done $0x0  }
0xa1: {  	[sflag:s23] =	ssyncadd.s32 s5;
	_ =	sdelay $0x1  }
0xa2: {  	s24 =	simm.s32 $0x1B8B  }
0xa3: {  	_ =	swait.ge [sflag:s24], $0x1  }
0xa4: {  	[sflag:s24] =	ssyncset.done $0x0  }
0xa5: {  	s25 =	simm.s32 $0x1B8E;
	[sflag:s24] =	ssyncadd.s32 $0xFFFFFFFF  }
0xa6: {  	s26 =	simm.s32 $execute0_lowered;
	[smem:$0x3FD2] =	sst s25  }
0xa7: {  	s5 =	sshll.u32 s26, $0x1;
	_ =	strace $0x80000046;
	[dreg:$0x1] =	wrdreg $0xFFFFFFFF  }
0xa8: {  	s28 =	simm.s32 $_size_execute0_lowered;
	s4 =	sadd.s32 s4, s5;
	[dreg:$0x0] =	wrdreg $0x0  }
0xa9: {  	s5 =	sshll.u32 s28, $0x1;
	[dreg:$0x2] =	wrdreg s4  }
0xaa: {  	[dreg:$0x3] =	wrdreg s5  }
0xab: {  	[dreg:$0x4] =	wrdreg $0xC0  }
0xac: {  	_ =	task [dreg:s8], $0x5FFFF  }
0xad: {  	[dreg:$0x1] =	wrdreg $0xFFFFFFFF  }
0xae: {  	[dreg:$0x0] =	wrdreg $0x60  }
0xaf: {  	[dreg:$0x2] =	wrdreg s2  }
0xb0: {  	[dreg:$0x3] =	wrdreg s19  }
0xb1: {  	[dreg:$0x4] =	wrdreg $0x0  }
0xb2: {  	[dreg:$0x5] =	wrdreg $0x9  }
0xb3: {  	_ =	task.clear_ibuf [dreg:s8], $0x6FFFF;
	_ =	strace $0x90000046  }
0xb4: {  	s29 =	simm.s32 $0x9;
	_ =	strace $0x80000048  }
0xb5: {  	_ =	swait.ge [sflag:s29], $0x1  }
0xb6: {  	[sflag:s29] =	ssyncadd.s32 $0xFFFFFFFF  }
0xb7: {  	_ =	strace $0x90000048  }
0xb8: {  	_ =	sfence  }
0xb9: {  	s30 =	sld [smem:$0x0];
	_ =	sdelay $0x2  }
0xba: {  	s31 =	sshll.u32 s1, $0xD;
	s1 =	sshrl.u32 s1, $0x2  }
0xbb: {  	s3 =	sand.u32 $0x4000, s31;
	s1 =	sadd.s32 s1, s30  }
0xbc: {  	s0 =	sor.u32 s3, s0;
	s1 =	sshll.u32 s1, $0x11  }
0xbd: {  	s0 =	sor.u32 s1, s0  }
0xbe: {  	s0 =	sadd.s32 $0x8F2B, s0  }
0xbf: {  	[sflag:s0] =	ssyncadd.remote.s32 $0x1  }
0xc0: {  	_ =	sfence.sel $0xFFFF  }
0xc1: {  	[dreg:$0x0] =	wrdreg $0xFFFFFFFF;
	(pc) =	sbr.abs _section_cstart, $3  }
0xc2: {  	[dreg:$0x1] =	wrdreg $0xFFFFFFFF  }
0xc3: {  	_ =	task.clear_ibuf [dreg:s8], $0x2FFFF;
	_ =	strace $0x9FFFFFFF  }
0xc4: {  	(tm) =	ssettm $0x7FFFFFFF  }
0xc5: {  	_ =	shalt  }
tec
execute0_lowered:
.L_overlay_start_1:
0x0: {  	(tag) =	ssettag $0x1  }
0x1: {  	s1 =	rddreg [dreg:$0x0]  }
0x2: {  	s2 =	rddreg [dreg:$0x1]  }
0x3: {  	s0 =	rddreg [dreg:$0x2];
	s3 =	srdreg.scid  }
0x4: {  	s4 =	simm.s32 $0x0;
	s16 =	simm.s32 $0x2;
	s8 =	sand.u32 $0x1, s3  }
0x5: {  	[smem:$0x7FF] =	sst s4;
	s3 =	stileid.u32;
	s5 =	ssub.s32 $0x2, s8  }
0x6: {  	_ =	strace $0x80000047;
	s9 =	sshll.u32 s3, $0x12;
	s7 =	sshll.u32 s3, $0xA  }
0x7: {  	s10 =	sshll.u32 s8, $0x9;
	s8 =	sshll.u32 s8, $0x11;
	s6 =	sshrl.u32 s5, $0x1  }
0x8: {  	s11 =	sshrl.u32 s9, $0x2;
	s25 =	sor.u32 s10, s7;
	s26 =	sadd.s32 s9, s1  }
0x9: {  	s9 =	sadd.s32 s9, s2;
	s12 =	ssub.s32 s5, s6;
	s0 =	sadd.s32 s11, s0  }
0xa: {  	s10 =	sshll.u32 s25, $0x8;
	s6 =	sshrl.u32 s25, $0x3;
	s28 =	sadd.s32 s8, s26  }
0xb: {  	s13 =	sadd.s32 s10, s2;
	[dreg:$0x4] =	wrdreg s28;
	s12 =	smax.u32 s12, $0x1  }
0xc: {  	s5 =	sadd.s32 $0x8000, s0;
	s14 =	sadd.s32 $0x1F000, s13;
	[dreg:$0xc] =	wrdreg s12  }
0xd: {  	s10 =	sadd.s32 s10, s1;
	s13 =	sadd.s32 $0x1F800, s13;
	[dreg:$0x9] =	wrdreg s14  }
0xe: {  	s11 =	sadd.s32 $0x4000, s0;
	s29 =	sadd.s32 $0x1800, s10;
	[dreg:$0xa] =	wrdreg s13  }
0xf: {  	s7 =	sadd.s32 $0xC000, s0;
	s10 =	sshll.u32 s3, $0x6;
	[dreg:$0x7] =	wrdreg s29  }
0x10: {  	s12 =	sadd.s32 s8, s9;
	s30 =	sor.u32 $0x1C01, s10;
	[dreg:$0xb] =	wrdreg s10  }
0x11: {  	s15 =	sshrl.u32 s11, $0x3;
	s31 =	sor.u32 $0x1C02, s10;
	[dreg:$0x5] =	wrdreg s30  }
0x12: {  	s13 =	sshrl.u32 s0, $0x3;
	s14 =	simm.s32 $0x1;
	[dreg:$0x6] =	wrdreg s31  }
.LBB2_1:
0x13: {  	p0 =	por $0x1, $0x1  }
0x14: {  	[dreg:$0x8] =	wrdreg s4;
	s0 =	simm.s32 @!p0 $0x5;
	s11 =	simm.s32 @!p0 $0x3  }
0x15: {  	s17 =	sshll.u32 @!p0 s3, $0x6;
	s23 =	sadd.s32 @!p0 $0x0, s12;
	_ =	swait.ge @!p0 [sflag:s0], $0x800  }
0x16: {  	s24 =	sadd.s32 @!p0 $0xFFFFF000, s23;
	s8 =	rddreg [dreg:$0x4];
	[sflag:s0] =	ssyncset.done @!p0 $0x0  }
0x17: {  	s9 =	rddreg [dreg:$0x5];
	[sflag:s0] =	ssyncadd.s32 @!p0 $0xFFFFF800;
	s8 =	sadd.s32 $0x0, s8  }
0x18: {  	[spmem:s13], [sflag:s9] =	dma.local [hbm:s8], $0x800  }
0x19: {  	s25 =	sor.u32 @!p0 $0x1C07, s17;
	s9 =	simm.s32 @!p0 $0x1;
	_ =	swait.ge @!p0 [sflag:s11], $0x800  }
0x1a: {  	s0 =	simm.s32 @!p0 $0x6;
	s9 =	simm.s32 @p0 $0x1;
	[sflag:s11] =	ssyncset.done @!p0 $0x0  }
0x1b: {  	s8 =	sshrl.u32 @!p0 s5, $0x3;
	s18 =	sadd.s32 s6, s9;
	[sflag:s11] =	ssyncadd.s32 @!p0 $0xFFFFF800  }
0x1c: {  	[hbm:s24], [sflag:s25] =	dma.local @!p0 [spmem:s8], $0x800  }
0x1d: {  	s11 =	sadd.s32 @!p0 $0xFFFFF800, s23;
	s8 =	sshll.u32 s18, $0xB;
	_ =	swait.ge @!p0 [sflag:s0], $0x800  }
0x1e: {  	s23 =	simm.s32 @!p0 $0x4;
	s30 =	sand.u32 $0x1FFFE800, s8;
	[sflag:s0] =	ssyncset.done @!p0 $0x0  }
0x1f: {  	s19 =	rddreg [dreg:$0x6];
	s8 =	sadd.s32 s1, s30;
	[sflag:s0] =	ssyncadd.s32 @!p0 $0xFFFFF800  }
0x20: {  	[spmem:s15], [sflag:s19] =	dma.local [hbm:s8], $0x800  }
0x21: {  	s9 =	sshrl.u32 @!p0 s7, $0x3;
	s8 =	simm.s32 $0x2;
	_ =	swait.ge @!p0 [sflag:s23], $0x800  }
0x22: {  	s0 =	sor.u32 @!p0 $0x1C08, s17;
	s8 =	simm.s32 @p0 $0x2;
	[sflag:s23] =	ssyncset.done @!p0 $0x0  }
0x23: {  	s17 =	simm.s32 @!p0 $0x7;
	s8 =	sadd.s32 s6, s8;
	[sflag:s23] =	ssyncadd.s32 @!p0 $0xFFFFF800  }
0x24: {  	[hbm:s11], [sflag:s0] =	dma.local @!p0 [spmem:s9], $0x800  }
0x25: {  	s21 =	sadd.s32 $0x0, s12;
	s20 =	sshll.u32 s8, $0xB;
	_ =	swait.ge @!p0 [sflag:s17], $0x800  }
0x26: {  	s25 =	sor.u32 $0x1C03, s10;
	s0 =	sand.u32 $0x1FFFF000, s20;
	[sflag:s17] =	ssyncset.done @!p0 $0x0  }
0x27: {  	s23 =	sshrl.u32 s5, $0x3;
	s0 =	sadd.s32 s1, s0;
	[sflag:s17] =	ssyncadd.s32 @!p0 $0xFFFFF800  }
0x28: {  	[spmem:s23], [sflag:s25] =	dma.local [hbm:s0], $0x800  }
0x29: {  	s26 =	sor.u32 $0x1C05, s10;
	s28 =	simm.s32 $0x2000;
	_ =	swait.ge [sflag:s14], $0x800  }
0x2a: {  	s29 =	sor.u32 $0x1C04, s10;
	s31 =	simm.s32 $0x6;
	[sflag:s14] =	ssyncset.done $0x0  }
0x2b: {  	s24 =	sshrl.u32 s7, $0x3;
	s8 =	simm.s32 @!p0 $0x8;
	[sflag:s14] =	ssyncadd.s32 $0xFFFFF800  }
0x2c: {  	[hbm:s21], [sflag:s26] =	dma.local [spmem:s13], $0x800  }
0x2d: {  	s9 =	sor.u32 $0x1C06, s10;
	s17 =	sadd.s32 s2, s30;
	_ =	swait.ge @!p0 [sflag:s8], $0x800  }
0x2e: {  	s30 =	smov.u32 s9;
	s22 =	rddreg [dreg:$0x7];
	[sflag:s8] =	ssyncset.done @!p0 $0x0  }
0x2f: {  	[sflag:s8] =	ssyncadd.s32 @!p0 $0xFFFFF800;
	s0 =	sadd.s32 $0x0, s22;
	s8 =	simm.s32 $0x4000  }
0x30: {  	[spmem:s24], [sflag:s29] =	dma.local [hbm:s0], $0x800  }
0x31: {  	p0 =	por $0x0, $0x0;
	s0 =	smov.u32 s9;
	_ =	swait.ge [sflag:s16], $0x800  }
.LBB2_2:
0x32: {  	s18 =	simm.s32 @!p0 $0x5;
	[sflag:s16] =	ssyncset.done $0x0  }
0x33: {  	s19 =	simm.s32 @!p0 $0x6;
	s20 =	simm.s32 @!p0 $0x3;
	[sflag:s16] =	ssyncadd.s32 $0xFFFFF800  }
0x34: {  	[hbm:s17], [sflag:s0] =	dma.local [spmem:s15], $0x800  }
0x35: {  	s21 =	sshll.u32 @!p0 s3, $0x6;
	s10 =	sadd.s32 @!p0 $0xFFFFFFFF, s31;
	_ =	swait.ge @!p0 [sflag:s18], $0x800  }
0x36: {  	s10 =	simm.s32 @p0 $0x1;
	[sflag:s18] =	ssyncset.done @!p0 $0x0;
	s22 =	rddreg [dreg:$0x4]  }
0x37: {  	s4 =	rddreg [dreg:$0x5];
	[sflag:s18] =	ssyncadd.s32 @!p0 $0xFFFFF800;
	s17 =	sadd.s32 s28, s22  }
0x38: {  	[spmem:s13], [sflag:s4] =	dma.local [hbm:s17], $0x800  }
0x39: {  	s10 =	sadd.s32 s6, s10;
	s22 =	sshrl.u32 @!p0 s5, $0x3;
	_ =	swait.ge @!p0 [sflag:s20], $0x800  }
0x3a: {  	s17 =	sadd.s32 @!p0 s28, s12;
	s4 =	sor.u32 @!p0 $0x1C07, s21;
	[sflag:s20] =	ssyncset.done @!p0 $0x0  }
0x3b: {  	s18 =	sadd.s32 @!p0 $0xFFFFF000, s17;
	[sflag:s20] =	ssyncadd.s32 @!p0 $0xFFFFF800;
	s20 =	sadd.s32 @!p0 $0xFFFFF800, s17  }
0x3c: {  	[hbm:s18], [sflag:s4] =	dma.local @!p0 [spmem:s22], $0x800  }
0x3d: {  	s18 =	sshll.u32 s10, $0xB;
	s22 =	simm.s32 @!p0 $0x4;
	_ =	swait.ge @!p0 [sflag:s19], $0x800  }
0x3e: {  	s4 =	sand.u32 $0x1FFFE800, s18;
	s18 =	sor.u32 @!p0 $0x1C08, s21;
	[sflag:s19] =	ssyncset.done @!p0 $0x0  }
0x3f: {  	s10 =	rddreg [dreg:$0x6];
	s21 =	sadd.s32 s1, s4;
	[sflag:s19] =	ssyncadd.s32 @!p0 $0xFFFFF800  }
0x40: {  	[spmem:s15], [sflag:s10] =	dma.local [hbm:s21], $0x800  }
0x41: {  	s17 =	sadd.s32 s2, s4;
	s10 =	smov.u32 s31;
	_ =	swait.ge @!p0 [sflag:s22], $0x800  }
0x42: {  	s4 =	sshrl.u32 @!p0 s7, $0x3;
	s10 =	simm.s32 @p0 $0x2;
	[sflag:s22] =	ssyncset.done @!p0 $0x0  }
0x43: {  	s19 =	simm.s32 @!p0 $0x7;
	s10 =	sadd.s32 s6, s10;
	[sflag:s22] =	ssyncadd.s32 @!p0 $0xFFFFF800  }
0x44: {  	[hbm:s20], [sflag:s18] =	dma.local @!p0 [spmem:s4], $0x800  }
0x45: {  	s20 =	sshll.u32 s10, $0xB;
	_ =	swait.ge @!p0 [sflag:s19], $0x800  }
0x46: {  	s4 =	sand.u32 $0x1FFFF000, s20;
	[sflag:s19] =	ssyncset.done @!p0 $0x0  }
0x47: {  	s4 =	sadd.s32 s1, s4;
	[sflag:s19] =	ssyncadd.s32 @!p0 $0xFFFFF800  }
0x48: {  	[spmem:s23], [sflag:s25] =	dma.local [hbm:s4], $0x800  }
0x49: {  	s11 =	smov.u32 s8;
	s8 =	sadd.s32 $0x2000, s8;
	_ =	swait.ge [sflag:s14], $0x800  }
0x4a: {  	p1 =	sne.s32 s8, $0x20000;
	[sflag:s14] =	ssyncset.done $0x0  }
0x4b: {  	s21 =	sadd.s32 s28, s12;
	s10 =	simm.s32 @!p0 $0x8;
	[sflag:s14] =	ssyncadd.s32 $0xFFFFF800  }
0x4c: {  	[hbm:s21], [sflag:s26] =	dma.local [spmem:s13], $0x800  }
.Ltmp0:
0x4d: {  	s0 =	smov.u32 s30;
	_ =	swait.ge @!p0 [sflag:s10], $0x800;
	(pc) =	sbr.rel @p1 .LBB2_2-.Ltmp0, $4  }
0x4e: {  	s30 =	smov.u32 s9;
	[sflag:s10] =	ssyncset.done @!p0 $0x0;
	s22 =	rddreg [dreg:$0x7]  }
0x4f: {  	[sflag:s10] =	ssyncadd.s32 @!p0 $0xFFFFF800;
	s4 =	sadd.s32 s28, s22;
	s28 =	smov.u32 s11  }
0x50: {  	[spmem:s24], [sflag:s29] =	dma.local [hbm:s4], $0x800  }
0x51: {  	s31 =	sadd.s32 $0x4, s31;
	p0 =	seq.s32 s28, $0x0;
	_ =	swait.ge [sflag:s16], $0x800  }
0x52: {  	[sflag:s16] =	ssyncset.done $0x0  }
0x53: {  	s4 =	simm.s32 @!p0 $0x5;
	[sflag:s16] =	ssyncadd.s32 $0xFFFFF800  }
0x54: {  	[hbm:s17], [sflag:s0] =	dma.local [spmem:s15], $0x800  }
0x55: {  	_ =	swait.ge @!p0 [sflag:s4], $0x800  }
0x56: {  	s20 =	rddreg [dreg:$0x4]  }
0x57: {  	s8 =	rddreg [dreg:$0x5];
	[sflag:s4] =	ssyncset.done @!p0 $0x0  }
0x58: {  	[sflag:s4] =	ssyncadd.s32 @!p0 $0xFFFFF800;
	s4 =	simm.s32 @!p0 $0x3;
	s0 =	sadd.s32 s28, s20  }
0x59: {  	[spmem:s13], [sflag:s8] =	dma.local [hbm:s0], $0x800  }
0x5a: {  	s9 =	sadd.s32 @!p0 s28, s12;
	_ =	swait.ge @!p0 [sflag:s4], $0x800  }
0x5b: {  	s10 =	sadd.s32 @!p0 $0xFFFFF000, s9;
	s0 =	sshll.u32 @!p0 s3, $0x6;
	[sflag:s4] =	ssyncset.done @!p0 $0x0  }
0x5c: {  	s8 =	sshrl.u32 @!p0 s5, $0x3;
	[sflag:s4] =	ssyncadd.s32 @!p0 $0xFFFFF800;
	s4 =	sor.u32 @!p0 $0x1C07, s0  }
0x5d: {  	[hbm:s10], [sflag:s4] =	dma.local @!p0 [spmem:s8], $0x800  }
0x5e: {  	s4 =	sadd.s32 @!p0 $0xFFFFFFFF, s31  }
0x5f: {  	s4 =	simm.s32 @p0 $0x1  }
0x60: {  	s8 =	simm.s32 @!p0 $0x6;
	s4 =	sadd.s32 s6, s4  }
0x61: {  	_ =	swait.ge @!p0 [sflag:s8], $0x800;
	s4 =	sshll.u32 s4, $0xB  }
0x62: {  	s21 =	rddreg [dreg:$0x6];
	[sflag:s8] =	ssyncset.done @!p0 $0x0;
	s4 =	sand.u32 $0x1FFFE800, s4  }
0x63: {  	[sflag:s8] =	ssyncadd.s32 @!p0 $0xFFFFF800;
	s8 =	simm.s32 @!p0 $0x4;
	s22 =	sadd.s32 s1, s4  }
0x64: {  	[spmem:s15], [sflag:s21] =	dma.local [hbm:s22], $0x800  }
0x65: {  	_ =	swait.ge @!p0 [sflag:s8], $0x800  }
0x66: {  	s9 =	sadd.s32 @!p0 $0xFFFFF800, s9;
	s0 =	sor.u32 @!p0 $0x1C08, s0;
	[sflag:s8] =	ssyncset.done @!p0 $0x0  }
0x67: {  	s31 =	simm.s32 @p0 $0x2;
	[sflag:s8] =	ssyncadd.s32 @!p0 $0xFFFFF800;
	s8 =	sshrl.u32 @!p0 s7, $0x3  }
0x68: {  	[hbm:s9], [sflag:s0] =	dma.local @!p0 [spmem:s8], $0x800  }
0x69: {  	s31 =	sadd.s32 s6, s31;
	s0 =	simm.s32 @!p0 $0x7  }
0x6a: {  	s8 =	sshll.u32 s31, $0xB;
	_ =	swait.ge @!p0 [sflag:s0], $0x800  }
0x6b: {  	s8 =	sand.u32 $0x1FFFF000, s8;
	[sflag:s0] =	ssyncset.done @!p0 $0x0  }
0x6c: {  	s8 =	sadd.s32 s1, s8;
	[sflag:s0] =	ssyncadd.s32 @!p0 $0xFFFFF800  }
0x6d: {  	[spmem:s23], [sflag:s25] =	dma.local [hbm:s8], $0x800  }
0x6e: {  	_ =	swait.ge [sflag:s14], $0x800  }
0x6f: {  	[sflag:s14] =	ssyncset.done $0x0  }
0x70: {  	s9 =	sadd.s32 s28, s12;
	s0 =	simm.s32 @!p0 $0x8;
	[sflag:s14] =	ssyncadd.s32 $0xFFFFF800  }
0x71: {  	[hbm:s9], [sflag:s26] =	dma.local [spmem:s13], $0x800  }
0x72: {  	_ =	swait.ge @!p0 [sflag:s0], $0x800  }
0x73: {  	s10 =	rddreg [dreg:$0x7];
	[sflag:s0] =	ssyncset.done @!p0 $0x0  }
0x74: {  	[sflag:s0] =	ssyncadd.s32 @!p0 $0xFFFFF800;
	s11 =	sadd.s32 s28, s10  }
0x75: {  	[spmem:s24], [sflag:s29] =	dma.local [hbm:s11], $0x800  }
0x76: {  	_ =	swait.ge [sflag:s16], $0x800  }
0x77: {  	[sflag:s16] =	ssyncset.done $0x0  }
0x78: {  	s18 =	simm.s32 $0x3;
	s17 =	sadd.s32 s2, s4;
	[sflag:s16] =	ssyncadd.s32 $0xFFFFF800  }
0x79: {  	[hbm:s17], [sflag:s30] =	dma.local [spmem:s15], $0x800  }
0x7a: {  	_ =	swait.ge [sflag:s18], $0x800  }
0x7b: {  	s21 =	simm.s32 $0x4;
	[sflag:s18] =	ssyncset.done $0x0;
	s10 =	rddreg [dreg:$0xb]  }
0x7c: {  	s20 =	rddreg [dreg:$0x9];
	[sflag:s18] =	ssyncadd.s32 $0xFFFFF800;
	s19 =	sor.u32 $0x1C07, s10  }
0x7d: {  	[hbm:s20], [sflag:s19] =	dma.local [spmem:s23], $0x800  }
0x7e: {  	_ =	swait.ge [sflag:s21], $0x800  }
0x7f: {  	s25 =	simm.s32 $0x5;
	[sflag:s21] =	ssyncset.done $0x0  }
0x80: {  	s22 =	sor.u32 $0x1C08, s10;
	s23 =	rddreg [dreg:$0xa];
	[sflag:s21] =	ssyncadd.s32 $0xFFFFF800  }
0x81: {  	[hbm:s23], [sflag:s22] =	dma.local [spmem:s24], $0x800  }
0x82: {  	_ =	swait.ge [sflag:s25], $0x800  }
0x83: {  	[sflag:s25] =	ssyncset.done $0x0  }
0x84: {  	s26 =	simm.s32 $0x6;
	[sflag:s25] =	ssyncadd.s32 $0xFFFFF800  }
0x85: {  	_ =	swait.ge [sflag:s26], $0x800  }
0x86: {  	[sflag:s26] =	ssyncset.done $0x0  }
0x87: {  	s28 =	simm.s32 $0x7;
	[sflag:s26] =	ssyncadd.s32 $0xFFFFF800  }
0x88: {  	_ =	swait.ge [sflag:s28], $0x800  }
0x89: {  	[sflag:s28] =	ssyncset.done $0x0  }
0x8a: {  	s29 =	simm.s32 $0x8;
	[sflag:s28] =	ssyncadd.s32 $0xFFFFF800  }
0x8b: {  	_ =	swait.ge [sflag:s29], $0x800  }
0x8c: {  	s30 =	rddreg [dreg:$0x8]  }
0x8d: {  	s31 =	rddreg [dreg:$0xc];
	s4 =	sadd.s32 $0x1, s30  }
0x8e: {  	p0 =	sne.s32 s4, s31  }
.Ltmp1:
0x8f: {  	_ = 	snop;
	(pc) =	sbr.rel @p0 .LBB2_1-.Ltmp1, $3  }
0x90: {  	_ =	sdelay $0x1  }
0x91: {  	[sflag:s29] =	ssyncset.done $0x0  }
0x92: {  	[sflag:s29] =	ssyncadd.s32 $0xFFFFF800  }
0x93: {  	_ =	sfence.sel $0x180000  }
0x94: {  	[bflag:$0x0] =	sbarrier.arrive $0xFFFF  }
0x95: {  	_ =	strace $0x90000047  }
0x96: {  	[bflag:$0x2] =	sbarrier.arrive $0xFFFF  }
0x97: {  	p0 =	sne.s32 s3, $0x0;
	s0 =	rddreg [dreg:$0x3]  }
0x98: {  	s0 =	sadd.s32 @!p0 $0x100000, s0  }
0x99: {  	[sflag:s0] =	ssyncadd.tile.s32 @!p0 $0x1;
	_ =	shalt  }
.Lfunc_end2:
_tile_overlayer_lowered:
.L_overlay_start_2:
0x9a: {  	(tag) =	ssettag $0x2  }
0x9b: {  	s0 =	rddreg [dreg:$0x0];
	s2 =	stileid.u32  }
0x9c: {  	s1 =	rddreg [dreg:$0x1];
	p0 =	sne.s32 s2, $0x0  }
0x9d: {  	s3 =	rddreg [dreg:$0x2];
	[bflag:$0x3] =	sbarrier.arrive $0xFFFF;
	s2 =	simm.s32 @!p0 $0x1C09  }
0x9e: {  	[timem:s3], [sflag:s2] =	dma.local @!p0 [hbm:s0], s1  }
0x9f: {  	s0 =	simm.s32 @!p0 $0x9  }
0xa0: {  	_ =	swait.ge @!p0 [sflag:s0], s1  }
0xa1: {  	s1 =	ssub.s32 @!p0 $0x0, s1;
	[sflag:s0] =	ssyncset.done @!p0 $0x0  }
0xa2: {  	[sflag:s0] =	ssyncadd.s32 @!p0 s1  }
0xa3: {  	[bflag:$0x3] =	sbarrier.arrive $0xFFFF  }
0xa4: {  	_ =	shalt  }

</sc_bundles>
